<compile_context>
chip_gen: v7x
topology: tpu7x:2x2x1
jax: 0.10.2.dev20260603
libtpu: 0.0.44.dev20260713+nightly
codegen_flags: <defaults>
</compile_context>

<pallas_src>
import functools

import jax
import jax.numpy as jnp
from jax import lax
from jax.experimental import pallas as pl
from jax.experimental.pallas import tpu as pltpu
from jax.experimental.pallas import tpu_sc as plsc

HI = lax.Precision.HIGHEST

N = 10000
NP = 10240
G = 64
K = 16
DH = 128
DE = 64
DS = 4
E_TOT = 320000
PW = 128
EB = 512
N_EBLK = E_TOT // EB


NB = 1024
N_NBLK = NP // NB


def _onehot(batch):
    gids = lax.broadcasted_iota(jnp.int32, (1, G), 1)
    return (batch == gids).astype(jnp.float32)


def _mean_from_sums(sums):
    cnt = sums[:, 48:49]
    return jnp.where(cnt > 0, sums[:, :48] / jnp.maximum(cnt, 1.0), 0.0), cnt


def _sums_kernel(batch_ref, x_ref, sums_ref):
    i = pl.program_id(0)
    onehot = _onehot(batch_ref[...])
    ones = jnp.ones((NB, 1), jnp.float32)
    xext = jnp.concatenate([x_ref[...], ones], axis=1)
    part = lax.dot_general(onehot, xext, (((0,), (0,)), ((), ())),
                           precision=HI)

    @pl.when(i == 0)
    def _():
        sums_ref[...] = jnp.zeros_like(sums_ref)
    sums_ref[...] += part


def _nsums_kernel(batch_ref, x_ref, sums_ref, nsums_ref):
    i = pl.program_id(0)
    onehot = _onehot(batch_ref[...])
    mean, _ = _mean_from_sums(sums_ref[...])
    xc = x_ref[...] - jnp.dot(onehot, mean, precision=HI)
    x0, x1, x2 = xc[:, 0:16], xc[:, 16:32], xc[:, 32:48]
    norm = jnp.sqrt(x0 * x0 + x1 * x1 + x2 * x2)
    part = lax.dot_general(onehot, norm, (((0,), (0,)), ((), ())),
                           precision=HI)

    @pl.when(i == 0)
    def _():
        nsums_ref[...] = jnp.zeros_like(nsums_ref)
    nsums_ref[...] += part


def _payload_kernel(batch_ref, x_ref, h_ref, sums_ref, nsums_ref, te_ref,
                    whp_ref, bhp_ref, lnw_ref, lnb_ref, xw_ref,
                    w1t_ref, w1s_ref, w1te_ref, bm1_ref,
                    psrc_ref, ptgt_ref, xn_ref):
    onehot = _onehot(batch_ref[...])
    mean, cnt = _mean_from_sums(sums_ref[...])
    xc = x_ref[...] - jnp.dot(onehot, mean, precision=HI)
    mean_norm = jnp.where(cnt > 0, nsums_ref[...] / jnp.maximum(cnt, 1.0), 0.0)
    mn_n = jnp.dot(onehot, mean_norm, precision=HI)
    scale = xw_ref[...] / (mn_n + 1e-5)
    x0, x1, x2 = xc[:, 0:16], xc[:, 16:32], xc[:, 32:48]
    xn = jnp.concatenate([x0 * scale, x1 * scale, x2 * scale], axis=1)

    hp = jnp.dot(h_ref[...], whp_ref[...], precision=HI) + bhp_ref[...]
    hp = hp * jax.nn.sigmoid(hp)
    mu = jnp.mean(hp, axis=1, keepdims=True)
    var = jnp.mean((hp - mu) ** 2, axis=1, keepdims=True)
    hln = (hp - mu) / jnp.sqrt(var + 1e-5) * lnw_ref[...] + lnb_ref[...]

    ht = jnp.dot(hln, w1t_ref[...], precision=HI)
    te_proj = jnp.dot(te_ref[...], w1te_ref[...], precision=HI)
    hs = (jnp.dot(hln, w1s_ref[...], precision=HI)
          + jnp.dot(onehot, te_proj, precision=HI) + bm1_ref[...])

    pad = jnp.zeros((NB, 16), jnp.float32)
    psrc_ref[...] = jnp.concatenate([hs, xn, pad], axis=1)
    ptgt_ref[...] = jnp.concatenate([ht, xn, pad], axis=1)
    xn_ref[...] = xn


def _bcast(shape):
    return pl.BlockSpec(shape, lambda i: tuple(0 for _ in shape))


def _node_stage(batch_p, x48, h_p, te, w_hp, b_hp, ln_w, ln_b, xw, w1t, w1s,
                w1te, b_m1):
    nspec = [pl.BlockSpec((NB, 1), lambda i: (i, 0)),
             pl.BlockSpec((NB, 48), lambda i: (i, 0))]
    sums = pl.pallas_call(
        _sums_kernel,
        grid=(N_NBLK,),
        in_specs=nspec,
        out_specs=_bcast((G, 49)),
        out_shape=jax.ShapeDtypeStruct((G, 49), jnp.float32),
    )(batch_p, x48)
    nsums = pl.pallas_call(
        _nsums_kernel,
        grid=(N_NBLK,),
        in_specs=nspec + [_bcast((G, 49))],
        out_specs=_bcast((G, 16)),
        out_shape=jax.ShapeDtypeStruct((G, 16), jnp.float32),
    )(batch_p, x48, sums)
    return pl.pallas_call(
        _payload_kernel,
        grid=(N_NBLK,),
        in_specs=nspec + [
            pl.BlockSpec((NB, DH), lambda i: (i, 0)),
            _bcast((G, 49)), _bcast((G, 16)), _bcast((G, 2 * DE)),
            _bcast((DH, DE)), _bcast((1, DE)), _bcast((1, DE)),
            _bcast((1, DE)), _bcast((1, K)),
            _bcast((DE, DE)), _bcast((DE, DE)), _bcast((2 * DE, DE)),
            _bcast((1, DE)),
        ],
        out_specs=(pl.BlockSpec((NB, PW), lambda i: (i, 0)),
                   pl.BlockSpec((NB, PW), lambda i: (i, 0)),
                   pl.BlockSpec((NB, 48), lambda i: (i, 0))),
        out_shape=(jax.ShapeDtypeStruct((NP, PW), jnp.float32),
                   jax.ShapeDtypeStruct((NP, PW), jnp.float32),
                   jax.ShapeDtypeStruct((NP, 48), jnp.float32)),
    )(batch_p, x48, h_p, sums, nsums, te, w_hp, b_hp, ln_w, ln_b, xw,
      w1t, w1s, w1te, b_m1)


NW = 32
EPW = E_TOT // NW
CH = 40
FIRE = 5
MAC = CH * FIRE
NSTEP = EPW // MAC
NROWS = EPW // CH
SFIRE = 2
SMAC = CH * SFIRE
SNSTEP = EPW // SMAC


def _gather_stage(psrc, ptgt, src2, tgt2):
    mesh = plsc.VectorSubcoreMesh(core_axis_name="c", subcore_axis_name="s")

    @functools.partial(
        pl.kernel, mesh=mesh,
        out_type=(jax.ShapeDtypeStruct((E_TOT, PW), jnp.float32),
                  jax.ShapeDtypeStruct((E_TOT, PW), jnp.float32)),
        scratch_types=[
            pltpu.VMEM((NROWS, CH), jnp.int32),
            pltpu.VMEM((NROWS, CH), jnp.int32),
            pltpu.VMEM((MAC, PW), jnp.float32),
            pltpu.VMEM((MAC, PW), jnp.float32),
            pltpu.SemaphoreType.DMA,
            pltpu.SemaphoreType.DMA,
        ])
    def gk(psrc_hbm, ptgt_hbm, src_hbm, tgt_hbm, gs_hbm, gt_hbm,
           idx_s, idx_t, rows_s, rows_t, sem_s, sem_t):
        wid = lax.axis_index("s") * 2 + lax.axis_index("c")
        pltpu.sync_copy(src_hbm.at[wid], idx_s)
        pltpu.sync_copy(tgt_hbm.at[wid], idx_t)
        ebase = wid * EPW

        def step(m, carry):
            cps = []
            for t in range(FIRE):
                j = m * FIRE + t
                cps.append(pltpu.async_copy(
                    psrc_hbm.at[idx_s.at[j]],
                    rows_s.at[pl.ds(t * CH, CH)], sem_s))
                cps.append(pltpu.async_copy(
                    ptgt_hbm.at[idx_t.at[j]],
                    rows_t.at[pl.ds(t * CH, CH)], sem_t))
            for cp in cps:
                cp.wait()
            pltpu.sync_copy(rows_s, gs_hbm.at[pl.ds(ebase + m * MAC, MAC)])
            pltpu.sync_copy(rows_t, gt_hbm.at[pl.ds(ebase + m * MAC, MAC)])
            return carry

        lax.fori_loop(0, NSTEP, step, 0)

    return gk(psrc, ptgt, src2, tgt2)


def _edge_kernel(gs_ref, gt_ref, wcp_ref, w1r_ref, wm2_ref, bm2_ref,
                 wx1_ref, bx1_ref, wx2_ref, bx2_ref,
                 wc1_ref, bc1_ref, wc2_ref, bc2_ref, out_ref):
    gs = gs_ref[...]
    gt = gt_ref[...]
    diff = gs - gt
    hsum = gs[:, 0:64] + gt[:, 0:64]

    d0, d1, d2 = diff[:, 64:80], diff[:, 80:96], diff[:, 96:112]
    x0, x1, x2 = gs[:, 64:80], gs[:, 80:96], gs[:, 96:112]

    wcp = wcp_ref[...]
    a0 = jnp.dot(d0, wcp, precision=HI)
    a1 = jnp.dot(d1, wcp, precision=HI)
    a2 = jnp.dot(d2, wcp, precision=HI)
    rdf = a0 * a0 + a1 * a1 + a2 * a2

    pre = hsum + jnp.dot(rdf, w1r_ref[...], precision=HI)
    pre = pre * jax.nn.sigmoid(pre)
    m = jnp.dot(pre, wm2_ref[...], precision=HI) + bm2_ref[...]

    u = jnp.dot(m, wx1_ref[...], precision=HI) + bx1_ref[...]
    u = u * jax.nn.sigmoid(u)
    wx = jnp.clip(jnp.dot(u, wx2_ref[...], precision=HI) + bx2_ref[...],
                  -10.0, 10.0)
    v = jnp.dot(m, wc1_ref[...], precision=HI) + bc1_ref[...]
    v = v * jax.nn.sigmoid(v)
    wc = jnp.clip(jnp.dot(v, wc2_ref[...], precision=HI) + bc2_ref[...],
                  -10.0, 10.0)

    rd = d0 * d0 + d1 * d1 + d2 * d2
    coef = wx / (1.0 + jnp.sqrt(rd + 1e-8))
    c0 = d1 * x2 - d2 * x1
    c1 = d2 * x0 - d0 * x2
    c2 = d0 * x1 - d1 * x0
    cn = jnp.sqrt(c0 * c0 + c1 * c1 + c2 * c2)
    ccoef = wc / (1.0 + cn)
    pad = jnp.zeros((EB, PW - 48), jnp.float32)
    out_ref[...] = jnp.concatenate(
        [d0 * coef + c0 * ccoef, d1 * coef + c1 * ccoef,
         d2 * coef + c2 * ccoef, pad], axis=1)


def _edge_stage(gs, gt, wcp, w1r, wm2, bm2, wx1, bx1, wx2, bx2,
                wc1, bc1, wc2, bc2):
    return pl.pallas_call(
        _edge_kernel,
        grid=(N_EBLK,),
        in_specs=[
            pl.BlockSpec((EB, PW), lambda i: (i, 0)),
            pl.BlockSpec((EB, PW), lambda i: (i, 0)),
            pl.BlockSpec((K, DS), lambda i: (0, 0)),
            pl.BlockSpec((DS, DE), lambda i: (0, 0)),
            pl.BlockSpec((DE, DE), lambda i: (0, 0)),
            pl.BlockSpec((1, DE), lambda i: (0, 0)),
            pl.BlockSpec((DE, DE), lambda i: (0, 0)),
            pl.BlockSpec((1, DE), lambda i: (0, 0)),
            pl.BlockSpec((DE, K), lambda i: (0, 0)),
            pl.BlockSpec((1, K), lambda i: (0, 0)),
            pl.BlockSpec((DE, DE), lambda i: (0, 0)),
            pl.BlockSpec((1, DE), lambda i: (0, 0)),
            pl.BlockSpec((DE, K), lambda i: (0, 0)),
            pl.BlockSpec((1, K), lambda i: (0, 0)),
        ],
        out_specs=pl.BlockSpec((EB, PW), lambda i: (i, 0)),
        out_shape=jax.ShapeDtypeStruct((E_TOT, PW), jnp.float32),
    )(gs, gt, wcp, w1r, wm2, bm2, wx1, bx1, wx2, bx2, wc1, bc1, wc2, bc2)


def _scatter_stage(contrib, tgt3, zer):
    mesh = plsc.VectorSubcoreMesh(core_axis_name="c", subcore_axis_name="s")

    @functools.partial(
        pl.kernel, mesh=mesh,
        out_type=jax.ShapeDtypeStruct((2, NP, PW), jnp.float32),
        scratch_types=[
            pltpu.VMEM((NROWS, CH), jnp.int32),
            pltpu.VMEM((SMAC, PW), jnp.float32),
            pltpu.VMEM_SHARED((NP, PW), jnp.float32),
            pltpu.SemaphoreType.DMA,
        ])
    def sk(contrib_hbm, tgt_hbm, zer_hbm, out_hbm, idx_t, rows, acc, sem):
        cid = lax.axis_index("c")
        sid = lax.axis_index("s")
        wid = sid * 2 + cid
        pltpu.sync_copy(tgt_hbm.at[wid], idx_t)

        @pl.when(sid == 0)
        def _():
            pltpu.sync_copy(zer_hbm, acc)

        plsc.subcore_barrier()
        ebase = wid * EPW

        def step(m, carry):
            pltpu.sync_copy(contrib_hbm.at[pl.ds(ebase + m * SMAC, SMAC)], rows)
            for t in range(SFIRE):
                pltpu.sync_copy(rows.at[pl.ds(t * CH, CH)],
                                acc.at[idx_t.at[m * SFIRE + t]], add=True)
            return carry

        lax.fori_loop(0, SNSTEP, step, 0)
        plsc.subcore_barrier()
        rows_per_tile = NP // 16
        pltpu.sync_copy(
            acc.at[pl.ds(sid * rows_per_tile, rows_per_tile)],
            out_hbm.at[cid, pl.ds(sid * rows_per_tile, rows_per_tile)])

    return sk(contrib, tgt3, zer)


def _combine_kernel(xn_ref, p_ref, o_ref):
    o_ref[...] = (xn_ref[...] + p_ref[0, :, 0:48] + p_ref[1, :, 0:48])


def _combine_stage(xn, partials):
    return pl.pallas_call(
        _combine_kernel,
        grid=(N_NBLK,),
        in_specs=[pl.BlockSpec((NB, 48), lambda i: (i, 0)),
                  pl.BlockSpec((2, NB, PW), lambda i: (0, i, 0))],
        out_specs=pl.BlockSpec((NB, 48), lambda i: (i, 0)),
        out_shape=jax.ShapeDtypeStruct((NP, 48), jnp.float32),
    )(xn, partials)


def kernel(batch, X, H, edge_index, te, W_hp, b_hp, ln_w, ln_b, x_norm_w,
           W_cp, b_cp, W_m1, b_m1, W_m2, b_m2, W_x1, b_x1, W_x2, b_x2,
           W_c1, b_c1, W_c2, b_c2):
    batch = batch.astype(jnp.int32)
    batch_p = jnp.full((NP, 1), G, jnp.int32).at[:N, 0].set(batch)
    x48 = jnp.zeros((NP, 48), jnp.float32).at[:N].set(
        X.reshape(N, 48).astype(jnp.float32))
    h_p = jnp.zeros((NP, DH), jnp.float32).at[:N].set(H)
    xw = x_norm_w.reshape(1, K)

    w1t = W_m1[0:DE]
    w1s = W_m1[DE:2 * DE]
    w1r = W_m1[2 * DE:2 * DE + DS]
    w1te = W_m1[2 * DE + DS:]

    psrc, ptgt, xn = _node_stage(
        batch_p, x48, h_p, te, W_hp, b_hp.reshape(1, DE), ln_w.reshape(1, DE),
        ln_b.reshape(1, DE), xw, w1t, w1s, w1te, b_m1.reshape(1, DE))

    src = edge_index[0].astype(jnp.int32)
    tgt = edge_index[1].astype(jnp.int32)

    gs, gt = _gather_stage(psrc, ptgt, src.reshape(NW, NROWS, CH),
                           tgt.reshape(NW, NROWS, CH))

    contrib = _edge_stage(
        gs, gt, W_cp, w1r, W_m2, b_m2.reshape(1, DE),
        W_x1, b_x1.reshape(1, DE), W_x2, b_x2.reshape(1, K),
        W_c1, b_c1.reshape(1, DE), W_c2, b_c2.reshape(1, K))

    zer = jnp.zeros((NP, PW), jnp.float32)
    partials = _scatter_stage(contrib, tgt.reshape(NW, NROWS, CH), zer)
    out = _combine_stage(xn, partials)
    return out[:N].reshape(N, 3, K)

# --- scband reference (transcript-rebuilt; emitter-appended) ---
"""Pipeline reference for scband-xegnnk-46454366274174 (READ-ONLY COPY).

The authoritative reference and input builder live on the scoring server;
editing this copy changes nothing except your own understanding.
"""

import jax, jax.numpy as jnp
import numpy as np


def _scatter_mean(src, index, num_segments):
    s = jax.ops.segment_sum(src, index, num_segments=num_segments)
    ones = jnp.ones((src.shape[0],) + (1,) * (src.ndim - 1), dtype=src.dtype)
    cnt = jax.ops.segment_sum(ones, index, num_segments=num_segments)
    return jnp.where(cnt > 0, s / jnp.maximum(cnt, 1.0), 0.0)


def _silu(x):
    return x * jax.nn.sigmoid(x)


def _mlp(x, W1, b1, W2, b2):
    return _silu(x @ W1 + b1) @ W2 + b2


def _layernorm(x, w, b, eps=1e-5):
    m = jnp.mean(x, axis=-1, keepdims=True)
    v = jnp.var(x, axis=-1, keepdims=True)
    return (x - m) / jnp.sqrt(v + eps) * w + b


def setup_inputs(seed: int = 0):
    key = jax.random.key(seed)
    ks = jax.random.split(key, 24)
    N, E, G = 10000, 320000, 64
    D_H, D_E, K, DS = 128, 64, 16, 4
    M_IN = 4 * D_E + DS  # 260
    def w(k, shape):
        return jax.random.normal(k, shape, dtype=jnp.float32) / np.sqrt(shape[0])
    inp = {}
    inp['batch'] = jnp.sort(jax.random.randint(ks[0], (N,), 0, G))
    inp['X'] = jax.random.normal(ks[1], (N, 3, K), dtype=jnp.float32)
    inp['H'] = jax.random.normal(ks[2], (N, D_H), dtype=jnp.float32)
    inp['edge_index'] = jax.random.randint(ks[3], (2, E), 0, N)
    inp['te'] = jax.random.normal(ks[4], (G, 2 * D_E), dtype=jnp.float32)
    inp['W_hp'] = w(ks[5], (D_H, D_E)); inp['b_hp'] = jnp.zeros((D_E,), jnp.float32)
    inp['ln_w'] = jnp.ones((D_E,), jnp.float32); inp['ln_b'] = jnp.zeros((D_E,), jnp.float32)
    inp['x_norm_w'] = jnp.ones((1, 1, K), jnp.float32)
    inp['W_cp'] = w(ks[6], (K, DS)); inp['b_cp'] = jnp.zeros((DS,), jnp.float32)
    inp['W_m1'] = w(ks[7], (M_IN, D_E)); inp['b_m1'] = jnp.zeros((D_E,), jnp.float32)
    inp['W_m2'] = w(ks[8], (D_E, D_E)); inp['b_m2'] = jnp.zeros((D_E,), jnp.float32)
    inp['W_x1'] = w(ks[9], (D_E, D_E)); inp['b_x1'] = jnp.zeros((D_E,), jnp.float32)
    inp['W_x2'] = w(ks[10], (D_E, K)); inp['b_x2'] = jnp.zeros((K,), jnp.float32)
    inp['W_c1'] = w(ks[11], (D_E, D_E)); inp['b_c1'] = jnp.zeros((D_E,), jnp.float32)
    inp['W_c2'] = w(ks[12], (D_E, K)); inp['b_c2'] = jnp.zeros((K,), jnp.float32)
    return inp


def reference(batch, X, H, edge_index, te, W_hp, b_hp, ln_w, ln_b, x_norm_w,
              W_cp, b_cp, W_m1, b_m1, W_m2, b_m2, W_x1, b_x1, W_x2, b_x2,
              W_c1, b_c1, W_c2, b_c2):
    N = X.shape[0]
    # center positions per graph (dim_size = N, faithful to original)
    X = X - _scatter_mean(X, batch, N)[batch]
    # E3Norm
    norm = jnp.linalg.norm(X, axis=1, keepdims=True)  # [N,1,K]
    bs = te.shape[0]
    mean_norm = _scatter_mean(norm, batch, bs)
    X = x_norm_w * X / (mean_norm[batch] + 1e-5)
    # node feature projection + layernorm (BatchLayerNorm -> LayerNorm over features)
    H = _silu(H @ W_hp + b_hp)
    H = _layernorm(H, ln_w, ln_b)
    src = edge_index[0]
    tgt = edge_index[1]
    rel_coors = X[src] - X[tgt]                 # [E,3,K]
    rel_dist = jnp.sum(rel_coors ** 2, axis=1)  # [E,K]
    dist_coord = X @ W_cp + b_cp                # [N,3,DS]
    dist_rel = dist_coord[src] - dist_coord[tgt]
    rel_dist_feat = jnp.sum(dist_rel ** 2, axis=1)  # [E,DS]
    # edge_attr is None -> edge_attr_feat = rel_dist_feat
    m_in = jnp.concatenate([H[tgt], H[src], rel_dist_feat, te[batch[src]]], axis=-1)
    m_ij = _mlp(m_in, W_m1, b_m1, W_m2, b_m2)
    coor_wij = jnp.clip(_mlp(m_ij, W_x1, b_x1, W_x2, b_x2), -10.0, 10.0)  # [E,K]
    X_rel_norm = rel_coors / (1.0 + jnp.sqrt(rel_dist[:, None, :] + 1e-8))
    x_update = jax.ops.segment_sum(X_rel_norm * coor_wij[:, None, :], tgt, num_segments=N)
    X_out = X + x_update
    # cross-product branch (faithful incl. mean[source] indexing, dim_size=N)
    mean = _scatter_mean(X, batch, N)
    x_src = X[src] - mean[src]
    x_tgt = X[tgt] - mean[tgt]
    cross = jnp.cross(x_src, x_tgt, axis=1)
    cross = cross / (1.0 + jnp.linalg.norm(cross, axis=1, keepdims=True))
    coor_wij_cross = jnp.clip(_mlp(m_ij, W_c1, b_c1, W_c2, b_c2), -10.0, 10.0)
    x_update_cross = jax.ops.segment_sum(cross * coor_wij_cross[:, None, :], tgt, num_segments=N)
    return X_out + x_update_cross

if __name__ == "__main__":
    import jax
    _d = setup_inputs()
    print(jax.jit(kernel)(*tuple(_d.values())))

</pallas_src>

<mosaic_0001>
#map = affine_map<(d0, d1) -> (0, 0)>
#map1 = affine_map<(d0, d1) -> (0, 0, 0)>
module attributes {stable_mosaic.version = 14 : i64} {
  func.func @sk(%arg0: i32, %arg1: i32, %arg2: memref<320000x128xf32, #tpu.memory_space<hbm>>, %arg3: memref<32x250x40xi32, #tpu.memory_space<hbm>>, %arg4: memref<10240x128xf32, #tpu.memory_space<hbm>>, %arg5: memref<2x10240x128xf32, #tpu.memory_space<hbm>>, %arg6: memref<250x40xi32, #tpu.memory_space<vmem>>, %arg7: memref<80x128xf32, #tpu.memory_space<vmem>>, %arg8: memref<10240x128xf32, #tpu.memory_space<vmem_shared>>, %arg9: memref<!tpu.dma_semaphore, #tpu.memory_space<semaphore_mem>>) attributes {dimension_semantics = [#tpu.dimension_semantics<core_parallel>, #tpu.dimension_semantics<subcore_parallel>], iteration_bounds = array<i64: 2, 16>, scalar_prefetch = 0 : i64, scratch_operands = 4 : i64, tpu.core_type = #tpu.core_type<sc_vector_subcore>, window_params = [{transform_indices = #map}, {transform_indices = #map1}, {transform_indices = #map}, {transform_indices = #map1}]} {
    %mul3A = arith.constant 2 : i32
    %mul3A_0 = arith.muli %arg1, %mul3A : i32
    %add3A = arith.addi %mul3A_0, %arg0 : i32
    "tpu.region"() ({
      %run_scoped3A = tpu.sem_alloc : memref<!tpu.dma_semaphore, #tpu.memory_space<semaphore_mem>>
      %dma_start3A = arith.constant 0 : i32
      %dma_start3A_15 = arith.constant 0 : i32
      %dma_start3A_16 = tpu.memref_slice %arg3[%add3A, %dma_start3A, %dma_start3A_15] : memref<32x250x40xi32, #tpu.memory_space<hbm>> -> memref<1x250x40xi32, #tpu.memory_space<hbm>>
      %dma_start3A_17 = tpu.memref_squeeze %dma_start3A_16 : memref<1x250x40xi32, #tpu.memory_space<hbm>> -> memref<250x40xi32, #tpu.memory_space<hbm>>
      %dma_start3A_18 = arith.constant 0 : i32
      %dma_start3A_19 = arith.constant 0 : i32
      %dma_start3A_20 = tpu.memref_slice %arg3[%add3A, %dma_start3A_18, %dma_start3A_19] : memref<32x250x40xi32, #tpu.memory_space<hbm>> -> memref<1x250x40xi32, #tpu.memory_space<hbm>>
      %dma_start3A_21 = tpu.memref_squeeze %dma_start3A_20 : memref<1x250x40xi32, #tpu.memory_space<hbm>> -> memref<250x40xi32, #tpu.memory_space<hbm>>
      tpu.enqueue_dma source(%dma_start3A_21 : memref<250x40xi32, #tpu.memory_space<hbm>>) target(%arg6 : memref<250x40xi32, #tpu.memory_space<vmem>>) target_semaphore(%run_scoped3A : memref<!tpu.dma_semaphore, #tpu.memory_space<semaphore_mem>>)
      %dma_wait3A = arith.constant 0 : i32
      %dma_wait3A_22 = arith.constant 0 : i32
      %dma_wait3A_23 = tpu.memref_slice %arg3[%add3A, %dma_wait3A, %dma_wait3A_22] : memref<32x250x40xi32, #tpu.memory_space<hbm>> -> memref<1x250x40xi32, #tpu.memory_space<hbm>>
      %dma_wait3A_24 = tpu.memref_squeeze %dma_wait3A_23 : memref<1x250x40xi32, #tpu.memory_space<hbm>> -> memref<250x40xi32, #tpu.memory_space<hbm>>
      %dma_wait3A_25 = arith.constant 0 : i32
      %dma_wait3A_26 = arith.constant 0 : i32
      %dma_wait3A_27 = tpu.memref_slice %arg3[%add3A, %dma_wait3A_25, %dma_wait3A_26] : memref<32x250x40xi32, #tpu.memory_space<hbm>> -> memref<1x250x40xi32, #tpu.memory_space<hbm>>
      %dma_wait3A_28 = tpu.memref_squeeze %dma_wait3A_27 : memref<1x250x40xi32, #tpu.memory_space<hbm>> -> memref<250x40xi32, #tpu.memory_space<hbm>>
      tpu.wait_dma2 semaphore(%run_scoped3A : memref<!tpu.dma_semaphore, #tpu.memory_space<semaphore_mem>>) src(%dma_wait3A_28 : memref<250x40xi32, #tpu.memory_space<hbm>>) dst(%arg6 : memref<250x40xi32, #tpu.memory_space<vmem>>)
      tpu.yield
    }) : () -> ()
    %eq3A = arith.constant 0 : i32
    %eq3A_1 = arith.cmpi eq, %arg1, %eq3A : i32
    %convert_element_type3A = arith.extui %eq3A_1 : i1 to i32
    %cond3A = arith.constant 0 : i32
    %cond3A_2 = arith.cmpi ne, %convert_element_type3A, %cond3A : i32
    scf.if %cond3A_2 {
      "tpu.region"() ({
        %run_scoped3A = tpu.sem_alloc : memref<!tpu.dma_semaphore, #tpu.memory_space<semaphore_mem>>
        tpu.enqueue_dma source(%arg4 : memref<10240x128xf32, #tpu.memory_space<hbm>>) target(%arg8 : memref<10240x128xf32, #tpu.memory_space<vmem_shared>>) target_semaphore(%run_scoped3A : memref<!tpu.dma_semaphore, #tpu.memory_space<semaphore_mem>>)
        tpu.wait_dma2 semaphore(%run_scoped3A : memref<!tpu.dma_semaphore, #tpu.memory_space<semaphore_mem>>) src(%arg4 : memref<10240x128xf32, #tpu.memory_space<hbm>>) dst(%arg8 : memref<10240x128xf32, #tpu.memory_space<vmem_shared>>)
        tpu.yield
      }) : () -> ()
    } else {
    }
    %barrier3A = arith.constant 0 : index
    tpu.barrier barrier_id(%barrier3A)
    %mul3A_3 = arith.constant 10000 : i32
    %mul3A_4 = arith.muli %add3A, %mul3A_3 : i32
    %scan3A = arith.constant 0 : i32
    %scan3A_5 = arith.constant 0 : i32
    %scan3A_6 = arith.constant 125 : i32
    %scan3A_7 = arith.addi %scan3A_5, %scan3A_6 : i32
    %scan3A_8 = arith.constant 1 : i32
    scf.for %scan3A_15 = %scan3A_5 to %scan3A_7 step %scan3A_8  : i32 {
      %mul3A_16 = arith.constant 80 : i32
      %mul3A_17 = arith.muli %scan3A_15, %mul3A_16 : i32
      %add3A_18 = arith.addi %mul3A_4, %mul3A_17 : i32
      "tpu.region"() ({
        %run_scoped3A = tpu.sem_alloc : memref<!tpu.dma_semaphore, #tpu.memory_space<semaphore_mem>>
        %dma_start3A = arith.constant 0 : i32
        %dma_start3A_27 = tpu.memref_slice %arg2[%add3A_18, %dma_start3A] : memref<320000x128xf32, #tpu.memory_space<hbm>> -> memref<80x128xf32, #tpu.memory_space<hbm>>
        %dma_start3A_28 = arith.constant 0 : i32
        %dma_start3A_29 = tpu.memref_slice %arg2[%add3A_18, %dma_start3A_28] : memref<320000x128xf32, #tpu.memory_space<hbm>> -> memref<80x128xf32, #tpu.memory_space<hbm>>
        tpu.enqueue_dma source(%dma_start3A_29 : memref<80x128xf32, #tpu.memory_space<hbm>>) target(%arg7 : memref<80x128xf32, #tpu.memory_space<vmem>>) target_semaphore(%run_scoped3A : memref<!tpu.dma_semaphore, #tpu.memory_space<semaphore_mem>>)
        %dma_wait3A = arith.constant 0 : i32
        %dma_wait3A_30 = tpu.memref_slice %arg2[%add3A_18, %dma_wait3A] : memref<320000x128xf32, #tpu.memory_space<hbm>> -> memref<80x128xf32, #tpu.memory_space<hbm>>
        %dma_wait3A_31 = arith.constant 0 : i32
        %dma_wait3A_32 = tpu.memref_slice %arg2[%add3A_18, %dma_wait3A_31] : memref<320000x128xf32, #tpu.memory_space<hbm>> -> memref<80x128xf32, #tpu.memory_space<hbm>>
        tpu.wait_dma2 semaphore(%run_scoped3A : memref<!tpu.dma_semaphore, #tpu.memory_space<semaphore_mem>>) src(%dma_wait3A_32 : memref<80x128xf32, #tpu.memory_space<hbm>>) dst(%arg7 : memref<80x128xf32, #tpu.memory_space<vmem>>)
        tpu.yield
      }) : () -> ()
      %mul3A_19 = arith.constant 2 : i32
      %mul3A_20 = arith.muli %scan3A_15, %mul3A_19 : i32
      %add3A_21 = arith.constant 0 : i32
      %add3A_22 = arith.addi %mul3A_20, %add3A_21 : i32
      "tpu.region"() ({
        %run_scoped3A = tpu.sem_alloc : memref<!tpu.dma_semaphore, #tpu.memory_space<semaphore_mem>>
        %dma_start3A = arith.constant 0 : i32
        %dma_start3A_27 = arith.constant 0 : i32
        %dma_start3A_28 = tpu.memref_slice %arg7[%dma_start3A, %dma_start3A_27] : memref<80x128xf32, #tpu.memory_space<vmem>> -> memref<40x128xf32, #tpu.memory_space<vmem>>
        %dma_start3A_29 = arith.constant 0 : i32
        %dma_start3A_30 = tpu.memref_slice %arg6[%add3A_22, %dma_start3A_29] : memref<250x40xi32, #tpu.memory_space<vmem>> -> memref<1x40xi32, #tpu.memory_space<vmem>>
        %dma_start3A_31 = tpu.memref_squeeze %dma_start3A_30 : memref<1x40xi32, #tpu.memory_space<vmem>> -> memref<40xi32, #tpu.memory_space<vmem>>
        %dma_start3A_32 = arith.constant 0 : i32
        %dma_start3A_33 = arith.constant 0 : i32
        %dma_start3A_34 = tpu.memref_slice %arg8[%dma_start3A_32, %dma_start3A_33] : memref<10240x128xf32, #tpu.memory_space<vmem_shared>> -> memref<10240x128xf32, #tpu.memory_space<vmem_shared>>
        tpu.enqueue_indirect_dma source(%dma_start3A_28 : memref<40x128xf32, #tpu.memory_space<vmem>>) target(%dma_start3A_34 : memref<10240x128xf32, #tpu.memory_space<vmem_shared>>) offsets(%dma_start3A_31 : memref<40xi32, #tpu.memory_space<vmem>>) semaphore(%run_scoped3A : memref<!tpu.dma_semaphore, #tpu.memory_space<semaphore_mem>>) {add = true}
        %dma_wait3A = arith.constant 0 : i32
        %dma_wait3A_35 = arith.constant 0 : i32
        %dma_wait3A_36 = tpu.memref_slice %arg7[%dma_wait3A, %dma_wait3A_35] : memref<80x128xf32, #tpu.memory_space<vmem>> -> memref<40x128xf32, #tpu.memory_space<vmem>>
        %dma_wait3A_37 = arith.constant 0 : i32
        %dma_wait3A_38 = tpu.memref_slice %arg6[%add3A_22, %dma_wait3A_37] : memref<250x40xi32, #tpu.memory_space<vmem>> -> memref<1x40xi32, #tpu.memory_space<vmem>>
        %dma_wait3A_39 = tpu.memref_squeeze %dma_wait3A_38 : memref<1x40xi32, #tpu.memory_space<vmem>> -> memref<40xi32, #tpu.memory_space<vmem>>
        %dma_wait3A_40 = arith.constant 0 : i32
        %dma_wait3A_41 = arith.constant 0 : i32
        %dma_wait3A_42 = tpu.memref_slice %arg8[%dma_wait3A_40, %dma_wait3A_41] : memref<10240x128xf32, #tpu.memory_space<vmem_shared>> -> memref<10240x128xf32, #tpu.memory_space<vmem_shared>>
        tpu.wait_indirect_dma semaphore(%run_scoped3A : memref<!tpu.dma_semaphore, #tpu.memory_space<semaphore_mem>>) src(%dma_wait3A_36 : memref<40x128xf32, #tpu.memory_space<vmem>>) dst(%dma_wait3A_42 : memref<10240x128xf32, #tpu.memory_space<vmem_shared>>)
        tpu.yield
      }) : () -> ()
      %mul3A_23 = arith.constant 2 : i32
      %mul3A_24 = arith.muli %scan3A_15, %mul3A_23 : i32
      %add3A_25 = arith.constant 1 : i32
      %add3A_26 = arith.addi %mul3A_24, %add3A_25 : i32
      "tpu.region"() ({
        %run_scoped3A = tpu.sem_alloc : memref<!tpu.dma_semaphore, #tpu.memory_space<semaphore_mem>>
        %dma_start3A = arith.constant 40 : i32
        %dma_start3A_27 = arith.constant 0 : i32
        %dma_start3A_28 = tpu.memref_slice %arg7[%dma_start3A, %dma_start3A_27] : memref<80x128xf32, #tpu.memory_space<vmem>> -> memref<40x128xf32, #tpu.memory_space<vmem>>
        %dma_start3A_29 = arith.constant 0 : i32
        %dma_start3A_30 = tpu.memref_slice %arg6[%add3A_26, %dma_start3A_29] : memref<250x40xi32, #tpu.memory_space<vmem>> -> memref<1x40xi32, #tpu.memory_space<vmem>>
        %dma_start3A_31 = tpu.memref_squeeze %dma_start3A_30 : memref<1x40xi32, #tpu.memory_space<vmem>> -> memref<40xi32, #tpu.memory_space<vmem>>
        %dma_start3A_32 = arith.constant 0 : i32
        %dma_start3A_33 = arith.constant 0 : i32
        %dma_start3A_34 = tpu.memref_slice %arg8[%dma_start3A_32, %dma_start3A_33] : memref<10240x128xf32, #tpu.memory_space<vmem_shared>> -> memref<10240x128xf32, #tpu.memory_space<vmem_shared>>
        tpu.enqueue_indirect_dma source(%dma_start3A_28 : memref<40x128xf32, #tpu.memory_space<vmem>>) target(%dma_start3A_34 : memref<10240x128xf32, #tpu.memory_space<vmem_shared>>) offsets(%dma_start3A_31 : memref<40xi32, #tpu.memory_space<vmem>>) semaphore(%run_scoped3A : memref<!tpu.dma_semaphore, #tpu.memory_space<semaphore_mem>>) {add = true}
        %dma_wait3A = arith.constant 40 : i32
        %dma_wait3A_35 = arith.constant 0 : i32
        %dma_wait3A_36 = tpu.memref_slice %arg7[%dma_wait3A, %dma_wait3A_35] : memref<80x128xf32, #tpu.memory_space<vmem>> -> memref<40x128xf32, #tpu.memory_space<vmem>>
        %dma_wait3A_37 = arith.constant 0 : i32
        %dma_wait3A_38 = tpu.memref_slice %arg6[%add3A_26, %dma_wait3A_37] : memref<250x40xi32, #tpu.memory_space<vmem>> -> memref<1x40xi32, #tpu.memory_space<vmem>>
        %dma_wait3A_39 = tpu.memref_squeeze %dma_wait3A_38 : memref<1x40xi32, #tpu.memory_space<vmem>> -> memref<40xi32, #tpu.memory_space<vmem>>
        %dma_wait3A_40 = arith.constant 0 : i32
        %dma_wait3A_41 = arith.constant 0 : i32
        %dma_wait3A_42 = tpu.memref_slice %arg8[%dma_wait3A_40, %dma_wait3A_41] : memref<10240x128xf32, #tpu.memory_space<vmem_shared>> -> memref<10240x128xf32, #tpu.memory_space<vmem_shared>>
        tpu.wait_indirect_dma semaphore(%run_scoped3A : memref<!tpu.dma_semaphore, #tpu.memory_space<semaphore_mem>>) src(%dma_wait3A_36 : memref<40x128xf32, #tpu.memory_space<vmem>>) dst(%dma_wait3A_42 : memref<10240x128xf32, #tpu.memory_space<vmem_shared>>)
        tpu.yield
      }) : () -> ()
    }
    %scan3A_9 = arith.constant 125 : i32
    %barrier3A_10 = arith.constant 0 : index
    tpu.barrier barrier_id(%barrier3A_10)
    %mul3A_11 = arith.constant 640 : i32
    %mul3A_12 = arith.muli %arg1, %mul3A_11 : i32
    %mul3A_13 = arith.constant 640 : i32
    %mul3A_14 = arith.muli %arg1, %mul3A_13 : i32
    "tpu.region"() ({
      %run_scoped3A = tpu.sem_alloc : memref<!tpu.dma_semaphore, #tpu.memory_space<semaphore_mem>>
      %dma_start3A = arith.constant 0 : i32
      %dma_start3A_15 = tpu.memref_slice %arg5[%arg0, %mul3A_14, %dma_start3A] : memref<2x10240x128xf32, #tpu.memory_space<hbm>> -> memref<1x640x128xf32, #tpu.memory_space<hbm>>
      %dma_start3A_16 = tpu.memref_squeeze %dma_start3A_15 : memref<1x640x128xf32, #tpu.memory_space<hbm>> -> memref<640x128xf32, #tpu.memory_space<hbm>>
      %dma_start3A_17 = arith.constant 0 : i32
      %dma_start3A_18 = tpu.memref_slice %arg8[%mul3A_12, %dma_start3A_17] : memref<10240x128xf32, #tpu.memory_space<vmem_shared>> -> memref<640x128xf32, #tpu.memory_space<vmem_shared>>
      tpu.enqueue_dma source(%dma_start3A_18 : memref<640x128xf32, #tpu.memory_space<vmem_shared>>) target(%dma_start3A_16 : memref<640x128xf32, #tpu.memory_space<hbm>>) target_semaphore(%run_scoped3A : memref<!tpu.dma_semaphore, #tpu.memory_space<semaphore_mem>>)
      %dma_wait3A = arith.constant 0 : i32
      %dma_wait3A_19 = tpu.memref_slice %arg5[%arg0, %mul3A_14, %dma_wait3A] : memref<2x10240x128xf32, #tpu.memory_space<hbm>> -> memref<1x640x128xf32, #tpu.memory_space<hbm>>
      %dma_wait3A_20 = tpu.memref_squeeze %dma_wait3A_19 : memref<1x640x128xf32, #tpu.memory_space<hbm>> -> memref<640x128xf32, #tpu.memory_space<hbm>>
      %dma_wait3A_21 = arith.constant 0 : i32
      %dma_wait3A_22 = tpu.memref_slice %arg8[%mul3A_12, %dma_wait3A_21] : memref<10240x128xf32, #tpu.memory_space<vmem_shared>> -> memref<640x128xf32, #tpu.memory_space<vmem_shared>>
      tpu.wait_dma2 semaphore(%run_scoped3A : memref<!tpu.dma_semaphore, #tpu.memory_space<semaphore_mem>>) src(%dma_wait3A_22 : memref<640x128xf32, #tpu.memory_space<vmem_shared>>) dst(%dma_wait3A_20 : memref<640x128xf32, #tpu.memory_space<hbm>>)
      tpu.yield
    }) : () -> ()
    return
  }
}

#map = affine_map<(d0, d1) -> (0, 0)>
#map1 = affine_map<(d0, d1) -> (0, 0, 0)>
module attributes {stable_mosaic.version = 14 : i64} {
  func.func @gk(%arg0: i32, %arg1: i32, %arg2: memref<10240x128xf32, #tpu.memory_space<hbm>>, %arg3: memref<10240x128xf32, #tpu.memory_space<hbm>>, %arg4: memref<32x250x40xi32, #tpu.memory_space<hbm>>, %arg5: memref<32x250x40xi32, #tpu.memory_space<hbm>>, %arg6: memref<320000x128xf32, #tpu.memory_space<hbm>>, %arg7: memref<320000x128xf32, #tpu.memory_space<hbm>>, %arg8: memref<250x40xi32, #tpu.memory_space<vmem>>, %arg9: memref<250x40xi32, #tpu.memory_space<vmem>>, %arg10: memref<200x128xf32, #tpu.memory_space<vmem>>, %arg11: memref<200x128xf32, #tpu.memory_space<vmem>>, %arg12: memref<!tpu.dma_semaphore, #tpu.memory_space<semaphore_mem>>, %arg13: memref<!tpu.dma_semaphore, #tpu.memory_space<semaphore_mem>>) attributes {dimension_semantics = [#tpu.dimension_semantics<core_parallel>, #tpu.dimension_semantics<subcore_parallel>], iteration_bounds = array<i64: 2, 16>, scalar_prefetch = 0 : i64, scratch_operands = 6 : i64, tpu.core_type = #tpu.core_type<sc_vector_subcore>, window_params = [{transform_indices = #map}, {transform_indices = #map}, {transform_indices = #map1}, {transform_indices = #map1}, {transform_indices = #map}, {transform_indices = #map}]} {
    %mul3A = arith.constant 2 : i32
    %mul3A_0 = arith.muli %arg1, %mul3A : i32
    %add3A = arith.addi %mul3A_0, %arg0 : i32
    "tpu.region"() ({
      %run_scoped3A = tpu.sem_alloc : memref<!tpu.dma_semaphore, #tpu.memory_space<semaphore_mem>>
      %dma_start3A = arith.constant 0 : i32
      %dma_start3A_8 = arith.constant 0 : i32
      %dma_start3A_9 = tpu.memref_slice %arg4[%add3A, %dma_start3A, %dma_start3A_8] : memref<32x250x40xi32, #tpu.memory_space<hbm>> -> memref<1x250x40xi32, #tpu.memory_space<hbm>>
      %dma_start3A_10 = tpu.memref_squeeze %dma_start3A_9 : memref<1x250x40xi32, #tpu.memory_space<hbm>> -> memref<250x40xi32, #tpu.memory_space<hbm>>
      %dma_start3A_11 = arith.constant 0 : i32
      %dma_start3A_12 = arith.constant 0 : i32
      %dma_start3A_13 = tpu.memref_slice %arg4[%add3A, %dma_start3A_11, %dma_start3A_12] : memref<32x250x40xi32, #tpu.memory_space<hbm>> -> memref<1x250x40xi32, #tpu.memory_space<hbm>>
      %dma_start3A_14 = tpu.memref_squeeze %dma_start3A_13 : memref<1x250x40xi32, #tpu.memory_space<hbm>> -> memref<250x40xi32, #tpu.memory_space<hbm>>
      tpu.enqueue_dma source(%dma_start3A_14 : memref<250x40xi32, #tpu.memory_space<hbm>>) target(%arg8 : memref<250x40xi32, #tpu.memory_space<vmem>>) target_semaphore(%run_scoped3A : memref<!tpu.dma_semaphore, #tpu.memory_space<semaphore_mem>>)
      %dma_wait3A = arith.constant 0 : i32
      %dma_wait3A_15 = arith.constant 0 : i32
      %dma_wait3A_16 = tpu.memref_slice %arg4[%add3A, %dma_wait3A, %dma_wait3A_15] : memref<32x250x40xi32, #tpu.memory_space<hbm>> -> memref<1x250x40xi32, #tpu.memory_space<hbm>>
      %dma_wait3A_17 = tpu.memref_squeeze %dma_wait3A_16 : memref<1x250x40xi32, #tpu.memory_space<hbm>> -> memref<250x40xi32, #tpu.memory_space<hbm>>
      %dma_wait3A_18 = arith.constant 0 : i32
      %dma_wait3A_19 = arith.constant 0 : i32
      %dma_wait3A_20 = tpu.memref_slice %arg4[%add3A, %dma_wait3A_18, %dma_wait3A_19] : memref<32x250x40xi32, #tpu.memory_space<hbm>> -> memref<1x250x40xi32, #tpu.memory_space<hbm>>
      %dma_wait3A_21 = tpu.memref_squeeze %dma_wait3A_20 : memref<1x250x40xi32, #tpu.memory_space<hbm>> -> memref<250x40xi32, #tpu.memory_space<hbm>>
      tpu.wait_dma2 semaphore(%run_scoped3A : memref<!tpu.dma_semaphore, #tpu.memory_space<semaphore_mem>>) src(%dma_wait3A_21 : memref<250x40xi32, #tpu.memory_space<hbm>>) dst(%arg8 : memref<250x40xi32, #tpu.memory_space<vmem>>)
      tpu.yield
    }) : () -> ()
    "tpu.region"() ({
      %run_scoped3A = tpu.sem_alloc : memref<!tpu.dma_semaphore, #tpu.memory_space<semaphore_mem>>
      %dma_start3A = arith.constant 0 : i32
      %dma_start3A_8 = arith.constant 0 : i32
      %dma_start3A_9 = tpu.memref_slice %arg5[%add3A, %dma_start3A, %dma_start3A_8] : memref<32x250x40xi32, #tpu.memory_space<hbm>> -> memref<1x250x40xi32, #tpu.memory_space<hbm>>
      %dma_start3A_10 = tpu.memref_squeeze %dma_start3A_9 : memref<1x250x40xi32, #tpu.memory_space<hbm>> -> memref<250x40xi32, #tpu.memory_space<hbm>>
      %dma_start3A_11 = arith.constant 0 : i32
      %dma_start3A_12 = arith.constant 0 : i32
      %dma_start3A_13 = tpu.memref_slice %arg5[%add3A, %dma_start3A_11, %dma_start3A_12] : memref<32x250x40xi32, #tpu.memory_space<hbm>> -> memref<1x250x40xi32, #tpu.memory_space<hbm>>
      %dma_start3A_14 = tpu.memref_squeeze %dma_start3A_13 : memref<1x250x40xi32, #tpu.memory_space<hbm>> -> memref<250x40xi32, #tpu.memory_space<hbm>>
      tpu.enqueue_dma source(%dma_start3A_14 : memref<250x40xi32, #tpu.memory_space<hbm>>) target(%arg9 : memref<250x40xi32, #tpu.memory_space<vmem>>) target_semaphore(%run_scoped3A : memref<!tpu.dma_semaphore, #tpu.memory_space<semaphore_mem>>)
      %dma_wait3A = arith.constant 0 : i32
      %dma_wait3A_15 = arith.constant 0 : i32
      %dma_wait3A_16 = tpu.memref_slice %arg5[%add3A, %dma_wait3A, %dma_wait3A_15] : memref<32x250x40xi32, #tpu.memory_space<hbm>> -> memref<1x250x40xi32, #tpu.memory_space<hbm>>
      %dma_wait3A_17 = tpu.memref_squeeze %dma_wait3A_16 : memref<1x250x40xi32, #tpu.memory_space<hbm>> -> memref<250x40xi32, #tpu.memory_space<hbm>>
      %dma_wait3A_18 = arith.constant 0 : i32
      %dma_wait3A_19 = arith.constant 0 : i32
      %dma_wait3A_20 = tpu.memref_slice %arg5[%add3A, %dma_wait3A_18, %dma_wait3A_19] : memref<32x250x40xi32, #tpu.memory_space<hbm>> -> memref<1x250x40xi32, #tpu.memory_space<hbm>>
      %dma_wait3A_21 = tpu.memref_squeeze %dma_wait3A_20 : memref<1x250x40xi32, #tpu.memory_space<hbm>> -> memref<250x40xi32, #tpu.memory_space<hbm>>
      tpu.wait_dma2 semaphore(%run_scoped3A : memref<!tpu.dma_semaphore, #tpu.memory_space<semaphore_mem>>) src(%dma_wait3A_21 : memref<250x40xi32, #tpu.memory_space<hbm>>) dst(%arg9 : memref<250x40xi32, #tpu.memory_space<vmem>>)
      tpu.yield
    }) : () -> ()
    %mul3A_1 = arith.constant 10000 : i32
    %mul3A_2 = arith.muli %add3A, %mul3A_1 : i32
    %scan3A = arith.constant 0 : i32
    %scan3A_3 = arith.constant 0 : i32
    %scan3A_4 = arith.constant 50 : i32
    %scan3A_5 = arith.addi %scan3A_3, %scan3A_4 : i32
    %scan3A_6 = arith.constant 1 : i32
    scf.for %scan3A_8 = %scan3A_3 to %scan3A_5 step %scan3A_6  : i32 {
      %mul3A_9 = arith.constant 5 : i32
      %mul3A_10 = arith.muli %scan3A_8, %mul3A_9 : i32
      %add3A_11 = arith.constant 0 : i32
      %add3A_12 = arith.addi %mul3A_10, %add3A_11 : i32
      %dma_start3A = arith.constant 0 : i32
      %dma_start3A_13 = arith.constant 0 : i32
      %dma_start3A_14 = tpu.memref_slice %arg10[%dma_start3A, %dma_start3A_13] : memref<200x128xf32, #tpu.memory_space<vmem>> -> memref<40x128xf32, #tpu.memory_space<vmem>>
      %dma_start3A_15 = arith.constant 0 : i32
      %dma_start3A_16 = tpu.memref_slice %arg8[%add3A_12, %dma_start3A_15] : memref<250x40xi32, #tpu.memory_space<vmem>> -> memref<1x40xi32, #tpu.memory_space<vmem>>
      %dma_start3A_17 = tpu.memref_squeeze %dma_start3A_16 : memref<1x40xi32, #tpu.memory_space<vmem>> -> memref<40xi32, #tpu.memory_space<vmem>>
      %dma_start3A_18 = arith.constant 0 : i32
      %dma_start3A_19 = arith.constant 0 : i32
      %dma_start3A_20 = tpu.memref_slice %arg2[%dma_start3A_18, %dma_start3A_19] : memref<10240x128xf32, #tpu.memory_space<hbm>> -> memref<10240x128xf32, #tpu.memory_space<hbm>>
      tpu.enqueue_indirect_dma source(%dma_start3A_20 : memref<10240x128xf32, #tpu.memory_space<hbm>>) target(%dma_start3A_14 : memref<40x128xf32, #tpu.memory_space<vmem>>) offsets(%dma_start3A_17 : memref<40xi32, #tpu.memory_space<vmem>>) semaphore(%arg12 : memref<!tpu.dma_semaphore, #tpu.memory_space<semaphore_mem>>)
      %dma_start3A_21 = arith.constant 0 : i32
      %dma_start3A_22 = arith.constant 0 : i32
      %dma_start3A_23 = tpu.memref_slice %arg11[%dma_start3A_21, %dma_start3A_22] : memref<200x128xf32, #tpu.memory_space<vmem>> -> memref<40x128xf32, #tpu.memory_space<vmem>>
      %dma_start3A_24 = arith.constant 0 : i32
      %dma_start3A_25 = tpu.memref_slice %arg9[%add3A_12, %dma_start3A_24] : memref<250x40xi32, #tpu.memory_space<vmem>> -> memref<1x40xi32, #tpu.memory_space<vmem>>
      %dma_start3A_26 = tpu.memref_squeeze %dma_start3A_25 : memref<1x40xi32, #tpu.memory_space<vmem>> -> memref<40xi32, #tpu.memory_space<vmem>>
      %dma_start3A_27 = arith.constant 0 : i32
      %dma_start3A_28 = arith.constant 0 : i32
      %dma_start3A_29 = tpu.memref_slice %arg3[%dma_start3A_27, %dma_start3A_28] : memref<10240x128xf32, #tpu.memory_space<hbm>> -> memref<10240x128xf32, #tpu.memory_space<hbm>>
      tpu.enqueue_indirect_dma source(%dma_start3A_29 : memref<10240x128xf32, #tpu.memory_space<hbm>>) target(%dma_start3A_23 : memref<40x128xf32, #tpu.memory_space<vmem>>) offsets(%dma_start3A_26 : memref<40xi32, #tpu.memory_space<vmem>>) semaphore(%arg13 : memref<!tpu.dma_semaphore, #tpu.memory_space<semaphore_mem>>)
      %mul3A_30 = arith.constant 5 : i32
      %mul3A_31 = arith.muli %scan3A_8, %mul3A_30 : i32
      %add3A_32 = arith.constant 1 : i32
      %add3A_33 = arith.addi %mul3A_31, %add3A_32 : i32
      %dma_start3A_34 = arith.constant 40 : i32
      %dma_start3A_35 = arith.constant 0 : i32
      %dma_start3A_36 = tpu.memref_slice %arg10[%dma_start3A_34, %dma_start3A_35] : memref<200x128xf32, #tpu.memory_space<vmem>> -> memref<40x128xf32, #tpu.memory_space<vmem>>
      %dma_start3A_37 = arith.constant 0 : i32
      %dma_start3A_38 = tpu.memref_slice %arg8[%add3A_33, %dma_start3A_37] : memref<250x40xi32, #tpu.memory_space<vmem>> -> memref<1x40xi32, #tpu.memory_space<vmem>>
      %dma_start3A_39 = tpu.memref_squeeze %dma_start3A_38 : memref<1x40xi32, #tpu.memory_space<vmem>> -> memref<40xi32, #tpu.memory_space<vmem>>
      %dma_start3A_40 = arith.constant 0 : i32
      %dma_start3A_41 = arith.constant 0 : i32
      %dma_start3A_42 = tpu.memref_slice %arg2[%dma_start3A_40, %dma_start3A_41] : memref<10240x128xf32, #tpu.memory_space<hbm>> -> memref<10240x128xf32, #tpu.memory_space<hbm>>
      tpu.enqueue_indirect_dma source(%dma_start3A_42 : memref<10240x128xf32, #tpu.memory_space<hbm>>) target(%dma_start3A_36 : memref<40x128xf32, #tpu.memory_space<vmem>>) offsets(%dma_start3A_39 : memref<40xi32, #tpu.memory_space<vmem>>) semaphore(%arg12 : memref<!tpu.dma_semaphore, #tpu.memory_space<semaphore_mem>>)
      %dma_start3A_43 = arith.constant 40 : i32
      %dma_start3A_44 = arith.constant 0 : i32
      %dma_start3A_45 = tpu.memref_slice %arg11[%dma_start3A_43, %dma_start3A_44] : memref<200x128xf32, #tpu.memory_space<vmem>> -> memref<40x128xf32, #tpu.memory_space<vmem>>
      %dma_start3A_46 = arith.constant 0 : i32
      %dma_start3A_47 = tpu.memref_slice %arg9[%add3A_33, %dma_start3A_46] : memref<250x40xi32, #tpu.memory_space<vmem>> -> memref<1x40xi32, #tpu.memory_space<vmem>>
      %dma_start3A_48 = tpu.memref_squeeze %dma_start3A_47 : memref<1x40xi32, #tpu.memory_space<vmem>> -> memref<40xi32, #tpu.memory_space<vmem>>
      %dma_start3A_49 = arith.constant 0 : i32
      %dma_start3A_50 = arith.constant 0 : i32
      %dma_start3A_51 = tpu.memref_slice %arg3[%dma_start3A_49, %dma_start3A_50] : memref<10240x128xf32, #tpu.memory_space<hbm>> -> memref<10240x128xf32, #tpu.memory_space<hbm>>
      tpu.enqueue_indirect_dma source(%dma_start3A_51 : memref<10240x128xf32, #tpu.memory_space<hbm>>) target(%dma_start3A_45 : memref<40x128xf32, #tpu.memory_space<vmem>>) offsets(%dma_start3A_48 : memref<40xi32, #tpu.memory_space<vmem>>) semaphore(%arg13 : memref<!tpu.dma_semaphore, #tpu.memory_space<semaphore_mem>>)
      %mul3A_52 = arith.constant 5 : i32
      %mul3A_53 = arith.muli %scan3A_8, %mul3A_52 : i32
      %add3A_54 = arith.constant 2 : i32
      %add3A_55 = arith.addi %mul3A_53, %add3A_54 : i32
      %dma_start3A_56 = arith.constant 80 : i32
      %dma_start3A_57 = arith.constant 0 : i32
      %dma_start3A_58 = tpu.memref_slice %arg10[%dma_start3A_56, %dma_start3A_57] : memref<200x128xf32, #tpu.memory_space<vmem>> -> memref<40x128xf32, #tpu.memory_space<vmem>>
      %dma_start3A_59 = arith.constant 0 : i32
      %dma_start3A_60 = tpu.memref_slice %arg8[%add3A_55, %dma_start3A_59] : memref<250x40xi32, #tpu.memory_space<vmem>> -> memref<1x40xi32, #tpu.memory_space<vmem>>
      %dma_start3A_61 = tpu.memref_squeeze %dma_start3A_60 : memref<1x40xi32, #tpu.memory_space<vmem>> -> memref<40xi32, #tpu.memory_space<vmem>>
      %dma_start3A_62 = arith.constant 0 : i32
      %dma_start3A_63 = arith.constant 0 : i32
      %dma_start3A_64 = tpu.memref_slice %arg2[%dma_start3A_62, %dma_start3A_63] : memref<10240x128xf32, #tpu.memory_space<hbm>> -> memref<10240x128xf32, #tpu.memory_space<hbm>>
      tpu.enqueue_indirect_dma source(%dma_start3A_64 : memref<10240x128xf32, #tpu.memory_space<hbm>>) target(%dma_start3A_58 : memref<40x128xf32, #tpu.memory_space<vmem>>) offsets(%dma_start3A_61 : memref<40xi32, #tpu.memory_space<vmem>>) semaphore(%arg12 : memref<!tpu.dma_semaphore, #tpu.memory_space<semaphore_mem>>)
      %dma_start3A_65 = arith.constant 80 : i32
      %dma_start3A_66 = arith.constant 0 : i32
      %dma_start3A_67 = tpu.memref_slice %arg11[%dma_start3A_65, %dma_start3A_66] : memref<200x128xf32, #tpu.memory_space<vmem>> -> memref<40x128xf32, #tpu.memory_space<vmem>>
      %dma_start3A_68 = arith.constant 0 : i32
      %dma_start3A_69 = tpu.memref_slice %arg9[%add3A_55, %dma_start3A_68] : memref<250x40xi32, #tpu.memory_space<vmem>> -> memref<1x40xi32, #tpu.memory_space<vmem>>
      %dma_start3A_70 = tpu.memref_squeeze %dma_start3A_69 : memref<1x40xi32, #tpu.memory_space<vmem>> -> memref<40xi32, #tpu.memory_space<vmem>>
      %dma_start3A_71 = arith.constant 0 : i32
      %dma_start3A_72 = arith.constant 0 : i32
      %dma_start3A_73 = tpu.memref_slice %arg3[%dma_start3A_71, %dma_start3A_72] : memref<10240x128xf32, #tpu.memory_space<hbm>> -> memref<10240x128xf32, #tpu.memory_space<hbm>>
      tpu.enqueue_indirect_dma source(%dma_start3A_73 : memref<10240x128xf32, #tpu.memory_space<hbm>>) target(%dma_start3A_67 : memref<40x128xf32, #tpu.memory_space<vmem>>) offsets(%dma_start3A_70 : memref<40xi32, #tpu.memory_space<vmem>>) semaphore(%arg13 : memref<!tpu.dma_semaphore, #tpu.memory_space<semaphore_mem>>)
      %mul3A_74 = arith.constant 5 : i32
      %mul3A_75 = arith.muli %scan3A_8, %mul3A_74 : i32
      %add3A_76 = arith.constant 3 : i32
      %add3A_77 = arith.addi %mul3A_75, %add3A_76 : i32
      %dma_start3A_78 = arith.constant 120 : i32
      %dma_start3A_79 = arith.constant 0 : i32
      %dma_start3A_80 = tpu.memref_slice %arg10[%dma_start3A_78, %dma_start3A_79] : memref<200x128xf32, #tpu.memory_space<vmem>> -> memref<40x128xf32, #tpu.memory_space<vmem>>
      %dma_start3A_81 = arith.constant 0 : i32
      %dma_start3A_82 = tpu.memref_slice %arg8[%add3A_77, %dma_start3A_81] : memref<250x40xi32, #tpu.memory_space<vmem>> -> memref<1x40xi32, #tpu.memory_space<vmem>>
      %dma_start3A_83 = tpu.memref_squeeze %dma_start3A_82 : memref<1x40xi32, #tpu.memory_space<vmem>> -> memref<40xi32, #tpu.memory_space<vmem>>
      %dma_start3A_84 = arith.constant 0 : i32
      %dma_start3A_85 = arith.constant 0 : i32
      %dma_start3A_86 = tpu.memref_slice %arg2[%dma_start3A_84, %dma_start3A_85] : memref<10240x128xf32, #tpu.memory_space<hbm>> -> memref<10240x128xf32, #tpu.memory_space<hbm>>
      tpu.enqueue_indirect_dma source(%dma_start3A_86 : memref<10240x128xf32, #tpu.memory_space<hbm>>) target(%dma_start3A_80 : memref<40x128xf32, #tpu.memory_space<vmem>>) offsets(%dma_start3A_83 : memref<40xi32, #tpu.memory_space<vmem>>) semaphore(%arg12 : memref<!tpu.dma_semaphore, #tpu.memory_space<semaphore_mem>>)
      %dma_start3A_87 = arith.constant 120 : i32
      %dma_start3A_88 = arith.constant 0 : i32
      %dma_start3A_89 = tpu.memref_slice %arg11[%dma_start3A_87, %dma_start3A_88] : memref<200x128xf32, #tpu.memory_space<vmem>> -> memref<40x128xf32, #tpu.memory_space<vmem>>
      %dma_start3A_90 = arith.constant 0 : i32
      %dma_start3A_91 = tpu.memref_slice %arg9[%add3A_77, %dma_start3A_90] : memref<250x40xi32, #tpu.memory_space<vmem>> -> memref<1x40xi32, #tpu.memory_space<vmem>>
      %dma_start3A_92 = tpu.memref_squeeze %dma_start3A_91 : memref<1x40xi32, #tpu.memory_space<vmem>> -> memref<40xi32, #tpu.memory_space<vmem>>
      %dma_start3A_93 = arith.constant 0 : i32
      %dma_start3A_94 = arith.constant 0 : i32
      %dma_start3A_95 = tpu.memref_slice %arg3[%dma_start3A_93, %dma_start3A_94] : memref<10240x128xf32, #tpu.memory_space<hbm>> -> memref<10240x128xf32, #tpu.memory_space<hbm>>
      tpu.enqueue_indirect_dma source(%dma_start3A_95 : memref<10240x128xf32, #tpu.memory_space<hbm>>) target(%dma_start3A_89 : memref<40x128xf32, #tpu.memory_space<vmem>>) offsets(%dma_start3A_92 : memref<40xi32, #tpu.memory_space<vmem>>) semaphore(%arg13 : memref<!tpu.dma_semaphore, #tpu.memory_space<semaphore_mem>>)
      %mul3A_96 = arith.constant 5 : i32
      %mul3A_97 = arith.muli %scan3A_8, %mul3A_96 : i32
      %add3A_98 = arith.constant 4 : i32
      %add3A_99 = arith.addi %mul3A_97, %add3A_98 : i32
      %dma_start3A_100 = arith.constant 160 : i32
      %dma_start3A_101 = arith.constant 0 : i32
      %dma_start3A_102 = tpu.memref_slice %arg10[%dma_start3A_100, %dma_start3A_101] : memref<200x128xf32, #tpu.memory_space<vmem>> -> memref<40x128xf32, #tpu.memory_space<vmem>>
      %dma_start3A_103 = arith.constant 0 : i32
      %dma_start3A_104 = tpu.memref_slice %arg8[%add3A_99, %dma_start3A_103] : memref<250x40xi32, #tpu.memory_space<vmem>> -> memref<1x40xi32, #tpu.memory_space<vmem>>
      %dma_start3A_105 = tpu.memref_squeeze %dma_start3A_104 : memref<1x40xi32, #tpu.memory_space<vmem>> -> memref<40xi32, #tpu.memory_space<vmem>>
      %dma_start3A_106 = arith.constant 0 : i32
      %dma_start3A_107 = arith.constant 0 : i32
      %dma_start3A_108 = tpu.memref_slice %arg2[%dma_start3A_106, %dma_start3A_107] : memref<10240x128xf32, #tpu.memory_space<hbm>> -> memref<10240x128xf32, #tpu.memory_space<hbm>>
      tpu.enqueue_indirect_dma source(%dma_start3A_108 : memref<10240x128xf32, #tpu.memory_space<hbm>>) target(%dma_start3A_102 : memref<40x128xf32, #tpu.memory_space<vmem>>) offsets(%dma_start3A_105 : memref<40xi32, #tpu.memory_space<vmem>>) semaphore(%arg12 : memref<!tpu.dma_semaphore, #tpu.memory_space<semaphore_mem>>)
      %dma_start3A_109 = arith.constant 160 : i32
      %dma_start3A_110 = arith.constant 0 : i32
      %dma_start3A_111 = tpu.memref_slice %arg11[%dma_start3A_109, %dma_start3A_110] : memref<200x128xf32, #tpu.memory_space<vmem>> -> memref<40x128xf32, #tpu.memory_space<vmem>>
      %dma_start3A_112 = arith.constant 0 : i32
      %dma_start3A_113 = tpu.memref_slice %arg9[%add3A_99, %dma_start3A_112] : memref<250x40xi32, #tpu.memory_space<vmem>> -> memref<1x40xi32, #tpu.memory_space<vmem>>
      %dma_start3A_114 = tpu.memref_squeeze %dma_start3A_113 : memref<1x40xi32, #tpu.memory_space<vmem>> -> memref<40xi32, #tpu.memory_space<vmem>>
      %dma_start3A_115 = arith.constant 0 : i32
      %dma_start3A_116 = arith.constant 0 : i32
      %dma_start3A_117 = tpu.memref_slice %arg3[%dma_start3A_115, %dma_start3A_116] : memref<10240x128xf32, #tpu.memory_space<hbm>> -> memref<10240x128xf32, #tpu.memory_space<hbm>>
      tpu.enqueue_indirect_dma source(%dma_start3A_117 : memref<10240x128xf32, #tpu.memory_space<hbm>>) target(%dma_start3A_111 : memref<40x128xf32, #tpu.memory_space<vmem>>) offsets(%dma_start3A_114 : memref<40xi32, #tpu.memory_space<vmem>>) semaphore(%arg13 : memref<!tpu.dma_semaphore, #tpu.memory_space<semaphore_mem>>)
      %dma_wait3A = arith.constant 0 : i32
      %dma_wait3A_118 = arith.constant 0 : i32
      %dma_wait3A_119 = tpu.memref_slice %arg10[%dma_wait3A, %dma_wait3A_118] : memref<200x128xf32, #tpu.memory_space<vmem>> -> memref<40x128xf32, #tpu.memory_space<vmem>>
      %dma_wait3A_120 = arith.constant 0 : i32
      %dma_wait3A_121 = tpu.memref_slice %arg8[%add3A_12, %dma_wait3A_120] : memref<250x40xi32, #tpu.memory_space<vmem>> -> memref<1x40xi32, #tpu.memory_space<vmem>>
      %dma_wait3A_122 = tpu.memref_squeeze %dma_wait3A_121 : memref<1x40xi32, #tpu.memory_space<vmem>> -> memref<40xi32, #tpu.memory_space<vmem>>
      %dma_wait3A_123 = arith.constant 0 : i32
      %dma_wait3A_124 = arith.constant 0 : i32
      %dma_wait3A_125 = tpu.memref_slice %arg2[%dma_wait3A_123, %dma_wait3A_124] : memref<10240x128xf32, #tpu.memory_space<hbm>> -> memref<10240x128xf32, #tpu.memory_space<hbm>>
      tpu.wait_indirect_dma semaphore(%arg12 : memref<!tpu.dma_semaphore, #tpu.memory_space<semaphore_mem>>) src(%dma_wait3A_125 : memref<10240x128xf32, #tpu.memory_space<hbm>>) dst(%dma_wait3A_119 : memref<40x128xf32, #tpu.memory_space<vmem>>)
      %dma_wait3A_126 = arith.constant 0 : i32
      %dma_wait3A_127 = arith.constant 0 : i32
      %dma_wait3A_128 = tpu.memref_slice %arg11[%dma_wait3A_126, %dma_wait3A_127] : memref<200x128xf32, #tpu.memory_space<vmem>> -> memref<40x128xf32, #tpu.memory_space<vmem>>
      %dma_wait3A_129 = arith.constant 0 : i32
      %dma_wait3A_130 = tpu.memref_slice %arg9[%add3A_12, %dma_wait3A_129] : memref<250x40xi32, #tpu.memory_space<vmem>> -> memref<1x40xi32, #tpu.memory_space<vmem>>
      %dma_wait3A_131 = tpu.memref_squeeze %dma_wait3A_130 : memref<1x40xi32, #tpu.memory_space<vmem>> -> memref<40xi32, #tpu.memory_space<vmem>>
      %dma_wait3A_132 = arith.constant 0 : i32
      %dma_wait3A_133 = arith.constant 0 : i32
      %dma_wait3A_134 = tpu.memref_slice %arg3[%dma_wait3A_132, %dma_wait3A_133] : memref<10240x128xf32, #tpu.memory_space<hbm>> -> memref<10240x128xf32, #tpu.memory_space<hbm>>
      tpu.wait_indirect_dma semaphore(%arg13 : memref<!tpu.dma_semaphore, #tpu.memory_space<semaphore_mem>>) src(%dma_wait3A_134 : memref<10240x128xf32, #tpu.memory_space<hbm>>) dst(%dma_wait3A_128 : memref<40x128xf32, #tpu.memory_space<vmem>>)
      %dma_wait3A_135 = arith.constant 40 : i32
      %dma_wait3A_136 = arith.constant 0 : i32
      %dma_wait3A_137 = tpu.memref_slice %arg10[%dma_wait3A_135, %dma_wait3A_136] : memref<200x128xf32, #tpu.memory_space<vmem>> -> memref<40x128xf32, #tpu.memory_space<vmem>>
      %dma_wait3A_138 = arith.constant 0 : i32
      %dma_wait3A_139 = tpu.memref_slice %arg8[%add3A_33, %dma_wait3A_138] : memref<250x40xi32, #tpu.memory_space<vmem>> -> memref<1x40xi32, #tpu.memory_space<vmem>>
      %dma_wait3A_140 = tpu.memref_squeeze %dma_wait3A_139 : memref<1x40xi32, #tpu.memory_space<vmem>> -> memref<40xi32, #tpu.memory_space<vmem>>
      %dma_wait3A_141 = arith.constant 0 : i32
      %dma_wait3A_142 = arith.constant 0 : i32
      %dma_wait3A_143 = tpu.memref_slice %arg2[%dma_wait3A_141, %dma_wait3A_142] : memref<10240x128xf32, #tpu.memory_space<hbm>> -> memref<10240x128xf32, #tpu.memory_space<hbm>>
      tpu.wait_indirect_dma semaphore(%arg12 : memref<!tpu.dma_semaphore, #tpu.memory_space<semaphore_mem>>) src(%dma_wait3A_143 : memref<10240x128xf32, #tpu.memory_space<hbm>>) dst(%dma_wait3A_137 : memref<40x128xf32, #tpu.memory_space<vmem>>)
      %dma_wait3A_144 = arith.constant 40 : i32
      %dma_wait3A_145 = arith.constant 0 : i32
      %dma_wait3A_146 = tpu.memref_slice %arg11[%dma_wait3A_144, %dma_wait3A_145] : memref<200x128xf32, #tpu.memory_space<vmem>> -> memref<40x128xf32, #tpu.memory_space<vmem>>
      %dma_wait3A_147 = arith.constant 0 : i32
      %dma_wait3A_148 = tpu.memref_slice %arg9[%add3A_33, %dma_wait3A_147] : memref<250x40xi32, #tpu.memory_space<vmem>> -> memref<1x40xi32, #tpu.memory_space<vmem>>
      %dma_wait3A_149 = tpu.memref_squeeze %dma_wait3A_148 : memref<1x40xi32, #tpu.memory_space<vmem>> -> memref<40xi32, #tpu.memory_space<vmem>>
      %dma_wait3A_150 = arith.constant 0 : i32
      %dma_wait3A_151 = arith.constant 0 : i32
      %dma_wait3A_152 = tpu.memref_slice %arg3[%dma_wait3A_150, %dma_wait3A_151] : memref<10240x128xf32, #tpu.memory_space<hbm>> -> memref<10240x128xf32, #tpu.memory_space<hbm>>
      tpu.wait_indirect_dma semaphore(%arg13 : memref<!tpu.dma_semaphore, #tpu.memory_space<semaphore_mem>>) src(%dma_wait3A_152 : memref<10240x128xf32, #tpu.memory_space<hbm>>) dst(%dma_wait3A_146 : memref<40x128xf32, #tpu.memory_space<vmem>>)
      %dma_wait3A_153 = arith.constant 80 : i32
      %dma_wait3A_154 = arith.constant 0 : i32
      %dma_wait3A_155 = tpu.memref_slice %arg10[%dma_wait3A_153, %dma_wait3A_154] : memref<200x128xf32, #tpu.memory_space<vmem>> -> memref<40x128xf32, #tpu.memory_space<vmem>>
      %dma_wait3A_156 = arith.constant 0 : i32
      %dma_wait3A_157 = tpu.memref_slice %arg8[%add3A_55, %dma_wait3A_156] : memref<250x40xi32, #tpu.memory_space<vmem>> -> memref<1x40xi32, #tpu.memory_space<vmem>>
      %dma_wait3A_158 = tpu.memref_squeeze %dma_wait3A_157 : memref<1x40xi32, #tpu.memory_space<vmem>> -> memref<40xi32, #tpu.memory_space<vmem>>
      %dma_wait3A_159 = arith.constant 0 : i32
      %dma_wait3A_160 = arith.constant 0 : i32
      %dma_wait3A_161 = tpu.memref_slice %arg2[%dma_wait3A_159, %dma_wait3A_160] : memref<10240x128xf32, #tpu.memory_space<hbm>> -> memref<10240x128xf32, #tpu.memory_space<hbm>>
      tpu.wait_indirect_dma semaphore(%arg12 : memref<!tpu.dma_semaphore, #tpu.memory_space<semaphore_mem>>) src(%dma_wait3A_161 : memref<10240x128xf32, #tpu.memory_space<hbm>>) dst(%dma_wait3A_155 : memref<40x128xf32, #tpu.memory_space<vmem>>)
      %dma_wait3A_162 = arith.constant 80 : i32
      %dma_wait3A_163 = arith.constant 0 : i32
      %dma_wait3A_164 = tpu.memref_slice %arg11[%dma_wait3A_162, %dma_wait3A_163] : memref<200x128xf32, #tpu.memory_space<vmem>> -> memref<40x128xf32, #tpu.memory_space<vmem>>
      %dma_wait3A_165 = arith.constant 0 : i32
      %dma_wait3A_166 = tpu.memref_slice %arg9[%add3A_55, %dma_wait3A_165] : memref<250x40xi32, #tpu.memory_space<vmem>> -> memref<1x40xi32, #tpu.memory_space<vmem>>
      %dma_wait3A_167 = tpu.memref_squeeze %dma_wait3A_166 : memref<1x40xi32, #tpu.memory_space<vmem>> -> memref<40xi32, #tpu.memory_space<vmem>>
      %dma_wait3A_168 = arith.constant 0 : i32
      %dma_wait3A_169 = arith.constant 0 : i32
      %dma_wait3A_170 = tpu.memref_slice %arg3[%dma_wait3A_168, %dma_wait3A_169] : memref<10240x128xf32, #tpu.memory_space<hbm>> -> memref<10240x128xf32, #tpu.memory_space<hbm>>
      tpu.wait_indirect_dma semaphore(%arg13 : memref<!tpu.dma_semaphore, #tpu.memory_space<semaphore_mem>>) src(%dma_wait3A_170 : memref<10240x128xf32, #tpu.memory_space<hbm>>) dst(%dma_wait3A_164 : memref<40x128xf32, #tpu.memory_space<vmem>>)
      %dma_wait3A_171 = arith.constant 120 : i32
      %dma_wait3A_172 = arith.constant 0 : i32
      %dma_wait3A_173 = tpu.memref_slice %arg10[%dma_wait3A_171, %dma_wait3A_172] : memref<200x128xf32, #tpu.memory_space<vmem>> -> memref<40x128xf32, #tpu.memory_space<vmem>>
      %dma_wait3A_174 = arith.constant 0 : i32
      %dma_wait3A_175 = tpu.memref_slice %arg8[%add3A_77, %dma_wait3A_174] : memref<250x40xi32, #tpu.memory_space<vmem>> -> memref<1x40xi32, #tpu.memory_space<vmem>>
      %dma_wait3A_176 = tpu.memref_squeeze %dma_wait3A_175 : memref<1x40xi32, #tpu.memory_space<vmem>> -> memref<40xi32, #tpu.memory_space<vmem>>
      %dma_wait3A_177 = arith.constant 0 : i32
      %dma_wait3A_178 = arith.constant 0 : i32
      %dma_wait3A_179 = tpu.memref_slice %arg2[%dma_wait3A_177, %dma_wait3A_178] : memref<10240x128xf32, #tpu.memory_space<hbm>> -> memref<10240x128xf32, #tpu.memory_space<hbm>>
      tpu.wait_indirect_dma semaphore(%arg12 : memref<!tpu.dma_semaphore, #tpu.memory_space<semaphore_mem>>) src(%dma_wait3A_179 : memref<10240x128xf32, #tpu.memory_space<hbm>>) dst(%dma_wait3A_173 : memref<40x128xf32, #tpu.memory_space<vmem>>)
      %dma_wait3A_180 = arith.constant 120 : i32
      %dma_wait3A_181 = arith.constant 0 : i32
      %dma_wait3A_182 = tpu.memref_slice %arg11[%dma_wait3A_180, %dma_wait3A_181] : memref<200x128xf32, #tpu.memory_space<vmem>> -> memref<40x128xf32, #tpu.memory_space<vmem>>
      %dma_wait3A_183 = arith.constant 0 : i32
      %dma_wait3A_184 = tpu.memref_slice %arg9[%add3A_77, %dma_wait3A_183] : memref<250x40xi32, #tpu.memory_space<vmem>> -> memref<1x40xi32, #tpu.memory_space<vmem>>
      %dma_wait3A_185 = tpu.memref_squeeze %dma_wait3A_184 : memref<1x40xi32, #tpu.memory_space<vmem>> -> memref<40xi32, #tpu.memory_space<vmem>>
      %dma_wait3A_186 = arith.constant 0 : i32
      %dma_wait3A_187 = arith.constant 0 : i32
      %dma_wait3A_188 = tpu.memref_slice %arg3[%dma_wait3A_186, %dma_wait3A_187] : memref<10240x128xf32, #tpu.memory_space<hbm>> -> memref<10240x128xf32, #tpu.memory_space<hbm>>
      tpu.wait_indirect_dma semaphore(%arg13 : memref<!tpu.dma_semaphore, #tpu.memory_space<semaphore_mem>>) src(%dma_wait3A_188 : memref<10240x128xf32, #tpu.memory_space<hbm>>) dst(%dma_wait3A_182 : memref<40x128xf32, #tpu.memory_space<vmem>>)
      %dma_wait3A_189 = arith.constant 160 : i32
      %dma_wait3A_190 = arith.constant 0 : i32
      %dma_wait3A_191 = tpu.memref_slice %arg10[%dma_wait3A_189, %dma_wait3A_190] : memref<200x128xf32, #tpu.memory_space<vmem>> -> memref<40x128xf32, #tpu.memory_space<vmem>>
      %dma_wait3A_192 = arith.constant 0 : i32
      %dma_wait3A_193 = tpu.memref_slice %arg8[%add3A_99, %dma_wait3A_192] : memref<250x40xi32, #tpu.memory_space<vmem>> -> memref<1x40xi32, #tpu.memory_space<vmem>>
      %dma_wait3A_194 = tpu.memref_squeeze %dma_wait3A_193 : memref<1x40xi32, #tpu.memory_space<vmem>> -> memref<40xi32, #tpu.memory_space<vmem>>
      %dma_wait3A_195 = arith.constant 0 : i32
      %dma_wait3A_196 = arith.constant 0 : i32
      %dma_wait3A_197 = tpu.memref_slice %arg2[%dma_wait3A_195, %dma_wait3A_196] : memref<10240x128xf32, #tpu.memory_space<hbm>> -> memref<10240x128xf32, #tpu.memory_space<hbm>>
      tpu.wait_indirect_dma semaphore(%arg12 : memref<!tpu.dma_semaphore, #tpu.memory_space<semaphore_mem>>) src(%dma_wait3A_197 : memref<10240x128xf32, #tpu.memory_space<hbm>>) dst(%dma_wait3A_191 : memref<40x128xf32, #tpu.memory_space<vmem>>)
      %dma_wait3A_198 = arith.constant 160 : i32
      %dma_wait3A_199 = arith.constant 0 : i32
      %dma_wait3A_200 = tpu.memref_slice %arg11[%dma_wait3A_198, %dma_wait3A_199] : memref<200x128xf32, #tpu.memory_space<vmem>> -> memref<40x128xf32, #tpu.memory_space<vmem>>
      %dma_wait3A_201 = arith.constant 0 : i32
      %dma_wait3A_202 = tpu.memref_slice %arg9[%add3A_99, %dma_wait3A_201] : memref<250x40xi32, #tpu.memory_space<vmem>> -> memref<1x40xi32, #tpu.memory_space<vmem>>
      %dma_wait3A_203 = tpu.memref_squeeze %dma_wait3A_202 : memref<1x40xi32, #tpu.memory_space<vmem>> -> memref<40xi32, #tpu.memory_space<vmem>>
      %dma_wait3A_204 = arith.constant 0 : i32
      %dma_wait3A_205 = arith.constant 0 : i32
      %dma_wait3A_206 = tpu.memref_slice %arg3[%dma_wait3A_204, %dma_wait3A_205] : memref<10240x128xf32, #tpu.memory_space<hbm>> -> memref<10240x128xf32, #tpu.memory_space<hbm>>
      tpu.wait_indirect_dma semaphore(%arg13 : memref<!tpu.dma_semaphore, #tpu.memory_space<semaphore_mem>>) src(%dma_wait3A_206 : memref<10240x128xf32, #tpu.memory_space<hbm>>) dst(%dma_wait3A_200 : memref<40x128xf32, #tpu.memory_space<vmem>>)
      %mul3A_207 = arith.constant 200 : i32
      %mul3A_208 = arith.muli %scan3A_8, %mul3A_207 : i32
      %add3A_209 = arith.addi %mul3A_2, %mul3A_208 : i32
      "tpu.region"() ({
        %run_scoped3A = tpu.sem_alloc : memref<!tpu.dma_semaphore, #tpu.memory_space<semaphore_mem>>
        %dma_start3A_213 = arith.constant 0 : i32
        %dma_start3A_214 = tpu.memref_slice %arg6[%add3A_209, %dma_start3A_213] : memref<320000x128xf32, #tpu.memory_space<hbm>> -> memref<200x128xf32, #tpu.memory_space<hbm>>
        %dma_start3A_215 = arith.constant 0 : i32
        %dma_start3A_216 = tpu.memref_slice %arg6[%add3A_209, %dma_start3A_215] : memref<320000x128xf32, #tpu.memory_space<hbm>> -> memref<200x128xf32, #tpu.memory_space<hbm>>
        tpu.enqueue_dma source(%arg10 : memref<200x128xf32, #tpu.memory_space<vmem>>) target(%dma_start3A_216 : memref<200x128xf32, #tpu.memory_space<hbm>>) target_semaphore(%run_scoped3A : memref<!tpu.dma_semaphore, #tpu.memory_space<semaphore_mem>>)
        %dma_wait3A_217 = arith.constant 0 : i32
        %dma_wait3A_218 = tpu.memref_slice %arg6[%add3A_209, %dma_wait3A_217] : memref<320000x128xf32, #tpu.memory_space<hbm>> -> memref<200x128xf32, #tpu.memory_space<hbm>>
        %dma_wait3A_219 = arith.constant 0 : i32
        %dma_wait3A_220 = tpu.memref_slice %arg6[%add3A_209, %dma_wait3A_219] : memref<320000x128xf32, #tpu.memory_space<hbm>> -> memref<200x128xf32, #tpu.memory_space<hbm>>
        tpu.wait_dma2 semaphore(%run_scoped3A : memref<!tpu.dma_semaphore, #tpu.memory_space<semaphore_mem>>) src(%arg10 : memref<200x128xf32, #tpu.memory_space<vmem>>) dst(%dma_wait3A_220 : memref<200x128xf32, #tpu.memory_space<hbm>>)
        tpu.yield
      }) : () -> ()
      %mul3A_210 = arith.constant 200 : i32
      %mul3A_211 = arith.muli %scan3A_8, %mul3A_210 : i32
      %add3A_212 = arith.addi %mul3A_2, %mul3A_211 : i32
      "tpu.region"() ({
        %run_scoped3A = tpu.sem_alloc : memref<!tpu.dma_semaphore, #tpu.memory_space<semaphore_mem>>
        %dma_start3A_213 = arith.constant 0 : i32
        %dma_start3A_214 = tpu.memref_slice %arg7[%add3A_212, %dma_start3A_213] : memref<320000x128xf32, #tpu.memory_space<hbm>> -> memref<200x128xf32, #tpu.memory_space<hbm>>
        %dma_start3A_215 = arith.constant 0 : i32
        %dma_start3A_216 = tpu.memref_slice %arg7[%add3A_212, %dma_start3A_215] : memref<320000x128xf32, #tpu.memory_space<hbm>> -> memref<200x128xf32, #tpu.memory_space<hbm>>
        tpu.enqueue_dma source(%arg11 : memref<200x128xf32, #tpu.memory_space<vmem>>) target(%dma_start3A_216 : memref<200x128xf32, #tpu.memory_space<hbm>>) target_semaphore(%run_scoped3A : memref<!tpu.dma_semaphore, #tpu.memory_space<semaphore_mem>>)
        %dma_wait3A_217 = arith.constant 0 : i32
        %dma_wait3A_218 = tpu.memref_slice %arg7[%add3A_212, %dma_wait3A_217] : memref<320000x128xf32, #tpu.memory_space<hbm>> -> memref<200x128xf32, #tpu.memory_space<hbm>>
        %dma_wait3A_219 = arith.constant 0 : i32
        %dma_wait3A_220 = tpu.memref_slice %arg7[%add3A_212, %dma_wait3A_219] : memref<320000x128xf32, #tpu.memory_space<hbm>> -> memref<200x128xf32, #tpu.memory_space<hbm>>
        tpu.wait_dma2 semaphore(%run_scoped3A : memref<!tpu.dma_semaphore, #tpu.memory_space<semaphore_mem>>) src(%arg11 : memref<200x128xf32, #tpu.memory_space<vmem>>) dst(%dma_wait3A_220 : memref<200x128xf32, #tpu.memory_space<hbm>>)
        tpu.yield
      }) : () -> ()
    }
    %scan3A_7 = arith.constant 50 : i32
    return
  }
}

module attributes {stable_mosaic.version = 14 : i64} {
  func.func @_sums_kernel(%arg0: i32, %arg1: memref<1024x1xi32, #tpu.memory_space<vmem>>, %arg2: memref<1024x48xf32, #tpu.memory_space<vmem>>, %arg3: memref<64x49xf32, #tpu.memory_space<vmem>>) attributes {dimension_semantics = [#tpu.dimension_semantics<arbitrary>], iteration_bounds = array<i64: 10>, scalar_prefetch = 0 : i64, scratch_operands = 0 : i64, tpu.core_type = #tpu.core_type<tc>, window_params = [{transform_indices = @transform_0, window_bounds = array<i64: 1024, 1>}, {transform_indices = @transform_1, window_bounds = array<i64: 1024, 48>}, {pipeline_mode = #tpu.pipeline_mode<synchronous>, transform_indices = @transform_2, window_bounds = array<i64: 64, 49>}]} {
    %get3A = arith.constant 0 : index
    %get3A_0 = arith.constant 0 : index
    %get3A_1 = vector.load %arg1[%get3A, %get3A_0] : memref<1024x1xi32, #tpu.memory_space<vmem>>, vector<1024x1xi32>
    %iota3A = tpu.iota {dimensions = array<i32: 1>} : vector<1x64xi32>
    %eq3A = vector.broadcast %get3A_1 : vector<1024x1xi32> to vector<1024x64xi32>
    %eq3A_2 = vector.broadcast %iota3A : vector<1x64xi32> to vector<1024x64xi32>
    %eq3A_3 = arith.cmpi eq, %eq3A, %eq3A_2 : vector<1024x64xi32>
    %convert_element_type3A = arith.extui %eq3A_3 : vector<1024x64xi1> to vector<1024x64xi32>
    %convert_element_type3A_4 = arith.sitofp %convert_element_type3A : vector<1024x64xi32> to vector<1024x64xf32>
    %broadcast_in_dim3A = arith.constant 1.000000e+00 : f32
    %broadcast_in_dim3A_5 = vector.broadcast %broadcast_in_dim3A : f32 to vector<1024x1xf32>
    %get3A_6 = arith.constant 0 : index
    %get3A_7 = arith.constant 0 : index
    %get3A_8 = vector.load %arg2[%get3A_6, %get3A_7] : memref<1024x48xf32, #tpu.memory_space<vmem>>, vector<1024x48xf32>
    %concatenate3A = tpu.concatenate %get3A_8, %broadcast_in_dim3A_5 in 1 : vector<1024x48xf32>, vector<1024x1xf32> -> vector<1024x49xf32>
    %dot_general3A = arith.constant dense<0.000000e+00> : vector<64x49xf32>
    %dot_general3A_9 = tpu.matmul %convert_element_type3A_4, %concatenate3A, %dot_general3A {dimension_numbers = #tpu.dot_dimension_numbers<[0], [0], [1], [1], [0, 1, 1, 1], [], []>, precision = #tpu.contract_precision<fp32>, transpose_lhs_hint = false} : vector<1024x64xf32>, vector<1024x49xf32>, vector<64x49xf32> -> vector<64x49xf32>
    %eq3A_10 = arith.constant 0 : i32
    %eq3A_11 = arith.cmpi eq, %arg0, %eq3A_10 : i32
    %convert_element_type3A_12 = arith.extui %eq3A_11 : i1 to i32
    %cond3A = arith.constant 0 : i32
    %cond3A_13 = arith.cmpi ne, %convert_element_type3A_12, %cond3A : i32
    scf.if %cond3A_13 {
      %broadcast_in_dim3A_19 = arith.constant 0.000000e+00 : f32
      %broadcast_in_dim3A_20 = vector.broadcast %broadcast_in_dim3A_19 : f32 to vector<64x49xf32>
      %swap3A_21 = arith.constant 0 : index
      %swap3A_22 = arith.constant 0 : index
      %swap3A_23 = vector.load %arg3[%swap3A_21, %swap3A_22] : memref<64x49xf32, #tpu.memory_space<vmem>>, vector<64x49xf32>
      tpu.vector_store %arg3[%swap3A_21, %swap3A_22], %broadcast_in_dim3A_20 {strides = array<i32>} : memref<64x49xf32, #tpu.memory_space<vmem>>, vector<64x49xf32>,
    } else {
    }
    %get3A_14 = arith.constant 0 : index
    %get3A_15 = arith.constant 0 : index
    %get3A_16 = vector.load %arg3[%get3A_14, %get3A_15] : memref<64x49xf32, #tpu.memory_space<vmem>>, vector<64x49xf32>
    %add3A = arith.addf %get3A_16, %dot_general3A_9 : vector<64x49xf32>
    %swap3A = arith.constant 0 : index
    %swap3A_17 = arith.constant 0 : index
    %swap3A_18 = vector.load %arg3[%swap3A, %swap3A_17] : memref<64x49xf32, #tpu.memory_space<vmem>>, vector<64x49xf32>
    tpu.vector_store %arg3[%swap3A, %swap3A_17], %add3A {strides = array<i32>} : memref<64x49xf32, #tpu.memory_space<vmem>>, vector<64x49xf32>,
    return
  }
  func.func @transform_0(%arg0: i32) -> (i32, i32) {
    %c0_i32 = arith.constant 0 : i32
    %c0_i32_0 = arith.constant 0 : i32
    return %arg0, %c0_i32 : i32, i32
  }
  func.func @transform_1(%arg0: i32) -> (i32, i32) {
    %c0_i32 = arith.constant 0 : i32
    %c0_i32_0 = arith.constant 0 : i32
    return %arg0, %c0_i32 : i32, i32
  }
  func.func @transform_2(%arg0: i32) -> (i32, i32) {
    %c0_i32 = arith.constant 0 : i32
    %c0_i32_0 = arith.constant 0 : i32
    %c0_i32_1 = arith.constant 0 : i32
    return %c0_i32, %c0_i32_0 : i32, i32
  }
}

module attributes {stable_mosaic.version = 14 : i64} {
  func.func @_nsums_kernel(%arg0: i32, %arg1: memref<1024x1xi32, #tpu.memory_space<vmem>>, %arg2: memref<1024x48xf32, #tpu.memory_space<vmem>>, %arg3: memref<64x49xf32, #tpu.memory_space<vmem>>, %arg4: memref<64x16xf32, #tpu.memory_space<vmem>>) attributes {dimension_semantics = [#tpu.dimension_semantics<arbitrary>], iteration_bounds = array<i64: 10>, scalar_prefetch = 0 : i64, scratch_operands = 0 : i64, tpu.core_type = #tpu.core_type<tc>, window_params = [{transform_indices = @transform_0, window_bounds = array<i64: 1024, 1>}, {transform_indices = @transform_1, window_bounds = array<i64: 1024, 48>}, {pipeline_mode = #tpu.pipeline_mode<synchronous>, transform_indices = @transform_2, window_bounds = array<i64: 64, 49>}, {pipeline_mode = #tpu.pipeline_mode<synchronous>, transform_indices = @transform_3, window_bounds = array<i64: 64, 16>}]} {
    %get3A = arith.constant 0 : index
    %get3A_0 = arith.constant 0 : index
    %get3A_1 = vector.load %arg1[%get3A, %get3A_0] : memref<1024x1xi32, #tpu.memory_space<vmem>>, vector<1024x1xi32>
    %iota3A = tpu.iota {dimensions = array<i32: 1>} : vector<1x64xi32>
    %eq3A = vector.broadcast %get3A_1 : vector<1024x1xi32> to vector<1024x64xi32>
    %eq3A_2 = vector.broadcast %iota3A : vector<1x64xi32> to vector<1024x64xi32>
    %eq3A_3 = arith.cmpi eq, %eq3A, %eq3A_2 : vector<1024x64xi32>
    %convert_element_type3A = arith.extui %eq3A_3 : vector<1024x64xi1> to vector<1024x64xi32>
    %convert_element_type3A_4 = arith.sitofp %convert_element_type3A : vector<1024x64xi32> to vector<1024x64xf32>
    %get3A_5 = arith.constant 0 : index
    %get3A_6 = arith.constant 0 : index
    %get3A_7 = vector.load %arg3[%get3A_5, %get3A_6] : memref<64x49xf32, #tpu.memory_space<vmem>>, vector<64x49xf32>
    %slice3A = vector.extract_strided_slice %get3A_7 {offsets = [0, 48], sizes = [64, 1], strides = [1, 1]} : vector<64x49xf32> to vector<64x1xf32>
    %gt3A = arith.constant 0.000000e+00 : f32
    %gt3A_8 = vector.broadcast %gt3A : f32 to vector<64x1xf32>
    %gt3A_9 = arith.cmpf ogt, %slice3A, %gt3A_8 : vector<64x1xf32>
    %slice3A_10 = vector.extract_strided_slice %get3A_7 {offsets = [0, 0], sizes = [64, 48], strides = [1, 1]} : vector<64x49xf32> to vector<64x48xf32>
    %max3A = arith.constant 1.000000e+00 : f32
    %max3A_11 = vector.broadcast %max3A : f32 to vector<64x1xf32>
    %max3A_12 = arith.maximumf %slice3A, %max3A_11 : vector<64x1xf32>
    %div3A = vector.broadcast %max3A_12 : vector<64x1xf32> to vector<64x48xf32>
    %div3A_13 = arith.divf %slice3A_10, %div3A : vector<64x48xf32>
    %jit3A = arith.constant 0.000000e+00 : f32
    %broadcast_in_dim3A = vector.shape_cast %gt3A_9 : vector<64x1xi1> to vector<64x1xi1>
    %broadcast_in_dim3A_14 = vector.broadcast %broadcast_in_dim3A : vector<64x1xi1> to vector<64x48xi1>
    %broadcast_in_dim3A_15 = vector.broadcast %jit3A : f32 to vector<64x48xf32>
    %select_n3A = arith.select %broadcast_in_dim3A_14, %div3A_13, %broadcast_in_dim3A_15 : vector<64x48xi1>, vector<64x48xf32>
    %get3A_16 = arith.constant 0 : index
    %get3A_17 = arith.constant 0 : index
    %get3A_18 = vector.load %arg2[%get3A_16, %get3A_17] : memref<1024x48xf32, #tpu.memory_space<vmem>>, vector<1024x48xf32>
    %dot_general3A = arith.constant dense<0.000000e+00> : vector<1024x48xf32>
    %dot_general3A_19 = tpu.matmul %convert_element_type3A_4, %select_n3A, %dot_general3A {dimension_numbers = #tpu.dot_dimension_numbers<[1], [0], [0], [1], [0, 0, 1, 1], [], []>, precision = #tpu.contract_precision<fp32>, transpose_lhs_hint = false} : vector<1024x64xf32>, vector<64x48xf32>, vector<1024x48xf32> -> vector<1024x48xf32>
    %sub3A = arith.subf %get3A_18, %dot_general3A_19 : vector<1024x48xf32>
    %slice3A_20 = vector.extract_strided_slice %sub3A {offsets = [0, 0], sizes = [1024, 16], strides = [1, 1]} : vector<1024x48xf32> to vector<1024x16xf32>
    %slice3A_21 = vector.extract_strided_slice %sub3A {offsets = [0, 16], sizes = [1024, 16], strides = [1, 1]} : vector<1024x48xf32> to vector<1024x16xf32>
    %slice3A_22 = vector.extract_strided_slice %sub3A {offsets = [0, 32], sizes = [1024, 16], strides = [1, 1]} : vector<1024x48xf32> to vector<1024x16xf32>
    %mul3A = arith.mulf %slice3A_20, %slice3A_20 : vector<1024x16xf32>
    %mul3A_23 = arith.mulf %slice3A_21, %slice3A_21 : vector<1024x16xf32>
    %add3A = arith.addf %mul3A, %mul3A_23 : vector<1024x16xf32>
    %mul3A_24 = arith.mulf %slice3A_22, %slice3A_22 : vector<1024x16xf32>
    %add3A_25 = arith.addf %add3A, %mul3A_24 : vector<1024x16xf32>
    %sqrt3A = math.sqrt %add3A_25 : vector<1024x16xf32>
    %dot_general3A_26 = arith.constant dense<0.000000e+00> : vector<64x16xf32>
    %dot_general3A_27 = tpu.matmul %convert_element_type3A_4, %sqrt3A, %dot_general3A_26 {dimension_numbers = #tpu.dot_dimension_numbers<[0], [0], [1], [1], [0, 1, 1, 1], [], []>, precision = #tpu.contract_precision<fp32>, transpose_lhs_hint = false} : vector<1024x64xf32>, vector<1024x16xf32>, vector<64x16xf32> -> vector<64x16xf32>
    %eq3A_28 = arith.constant 0 : i32
    %eq3A_29 = arith.cmpi eq, %arg0, %eq3A_28 : i32
    %convert_element_type3A_30 = arith.extui %eq3A_29 : i1 to i32
    %cond3A = arith.constant 0 : i32
    %cond3A_31 = arith.cmpi ne, %convert_element_type3A_30, %cond3A : i32
    scf.if %cond3A_31 {
      %broadcast_in_dim3A_38 = arith.constant 0.000000e+00 : f32
      %broadcast_in_dim3A_39 = vector.broadcast %broadcast_in_dim3A_38 : f32 to vector<64x16xf32>
      %swap3A_40 = arith.constant 0 : index
      %swap3A_41 = arith.constant 0 : index
      %swap3A_42 = vector.load %arg4[%swap3A_40, %swap3A_41] : memref<64x16xf32, #tpu.memory_space<vmem>>, vector<64x16xf32>
      tpu.vector_store %arg4[%swap3A_40, %swap3A_41], %broadcast_in_dim3A_39 {strides = array<i32>} : memref<64x16xf32, #tpu.memory_space<vmem>>, vector<64x16xf32>,
    } else {
    }
    %get3A_32 = arith.constant 0 : index
    %get3A_33 = arith.constant 0 : index
    %get3A_34 = vector.load %arg4[%get3A_32, %get3A_33] : memref<64x16xf32, #tpu.memory_space<vmem>>, vector<64x16xf32>
    %add3A_35 = arith.addf %get3A_34, %dot_general3A_27 : vector<64x16xf32>
    %swap3A = arith.constant 0 : index
    %swap3A_36 = arith.constant 0 : index
    %swap3A_37 = vector.load %arg4[%swap3A, %swap3A_36] : memref<64x16xf32, #tpu.memory_space<vmem>>, vector<64x16xf32>
    tpu.vector_store %arg4[%swap3A, %swap3A_36], %add3A_35 {strides = array<i32>} : memref<64x16xf32, #tpu.memory_space<vmem>>, vector<64x16xf32>,
    return
  }
  func.func @transform_0(%arg0: i32) -> (i32, i32) {
    %c0_i32 = arith.constant 0 : i32
    %c0_i32_0 = arith.constant 0 : i32
    return %arg0, %c0_i32 : i32, i32
  }
  func.func @transform_1(%arg0: i32) -> (i32, i32) {
    %c0_i32 = arith.constant 0 : i32
    %c0_i32_0 = arith.constant 0 : i32
    return %arg0, %c0_i32 : i32, i32
  }
  func.func @transform_2(%arg0: i32) -> (i32, i32) {
    %c0_i32 = arith.constant 0 : i32
    %c0_i32_0 = arith.constant 0 : i32
    %c0_i32_1 = arith.constant 0 : i32
    return %c0_i32, %c0_i32_0 : i32, i32
  }
  func.func @transform_3(%arg0: i32) -> (i32, i32) {
    %c0_i32 = arith.constant 0 : i32
    %c0_i32_0 = arith.constant 0 : i32
    %c0_i32_1 = arith.constant 0 : i32
    return %c0_i32, %c0_i32_0 : i32, i32
  }
}

module attributes {stable_mosaic.version = 14 : i64} {
  func.func @_payload_kernel(%arg0: i32, %arg1: memref<1024x1xi32, #tpu.memory_space<vmem>>, %arg2: memref<1024x48xf32, #tpu.memory_space<vmem>>, %arg3: memref<1024x128xf32, #tpu.memory_space<vmem>>, %arg4: memref<64x49xf32, #tpu.memory_space<vmem>>, %arg5: memref<64x16xf32, #tpu.memory_space<vmem>>, %arg6: memref<64x128xf32, #tpu.memory_space<vmem>>, %arg7: memref<128x64xf32, #tpu.memory_space<vmem>>, %arg8: memref<1x64xf32, #tpu.memory_space<vmem>>, %arg9: memref<1x64xf32, #tpu.memory_space<vmem>>, %arg10: memref<1x64xf32, #tpu.memory_space<vmem>>, %arg11: memref<1x16xf32, #tpu.memory_space<vmem>>, %arg12: memref<64x64xf32, #tpu.memory_space<vmem>>, %arg13: memref<64x64xf32, #tpu.memory_space<vmem>>, %arg14: memref<128x64xf32, #tpu.memory_space<vmem>>, %arg15: memref<1x64xf32, #tpu.memory_space<vmem>>, %arg16: memref<1024x128xf32, #tpu.memory_space<vmem>>, %arg17: memref<1024x128xf32, #tpu.memory_space<vmem>>, %arg18: memref<1024x48xf32, #tpu.memory_space<vmem>>) attributes {dimension_semantics = [#tpu.dimension_semantics<arbitrary>], iteration_bounds = array<i64: 10>, scalar_prefetch = 0 : i64, scratch_operands = 0 : i64, tpu.core_type = #tpu.core_type<tc>, window_params = [{transform_indices = @transform_0, window_bounds = array<i64: 1024, 1>}, {transform_indices = @transform_1, window_bounds = array<i64: 1024, 48>}, {transform_indices = @transform_2, window_bounds = array<i64: 1024, 128>}, {pipeline_mode = #tpu.pipeline_mode<synchronous>, transform_indices = @transform_3, window_bounds = array<i64: 64, 49>}, {pipeline_mode = #tpu.pipeline_mode<synchronous>, transform_indices = @transform_4, window_bounds = array<i64: 64, 16>}, {pipeline_mode = #tpu.pipeline_mode<synchronous>, transform_indices = @transform_5, window_bounds = array<i64: 64, 128>}, {pipeline_mode = #tpu.pipeline_mode<synchronous>, transform_indices = @transform_6, window_bounds = array<i64: 128, 64>}, {pipeline_mode = #tpu.pipeline_mode<synchronous>, transform_indices = @transform_7, window_bounds = array<i64: 1, 64>}, {pipeline_mode = #tpu.pipeline_mode<synchronous>, transform_indices = @transform_8, window_bounds = array<i64: 1, 64>}, {pipeline_mode = #tpu.pipeline_mode<synchronous>, transform_indices = @transform_9, window_bounds = array<i64: 1, 64>}, {pipeline_mode = #tpu.pipeline_mode<synchronous>, transform_indices = @transform_10, window_bounds = array<i64: 1, 16>}, {pipeline_mode = #tpu.pipeline_mode<synchronous>, transform_indices = @transform_11, window_bounds = array<i64: 64, 64>}, {pipeline_mode = #tpu.pipeline_mode<synchronous>, transform_indices = @transform_12, window_bounds = array<i64: 64, 64>}, {pipeline_mode = #tpu.pipeline_mode<synchronous>, transform_indices = @transform_13, window_bounds = array<i64: 128, 64>}, {pipeline_mode = #tpu.pipeline_mode<synchronous>, transform_indices = @transform_14, window_bounds = array<i64: 1, 64>}, {transform_indices = @transform_15, window_bounds = array<i64: 1024, 128>}, {transform_indices = @transform_16, window_bounds = array<i64: 1024, 128>}, {transform_indices = @transform_17, window_bounds = array<i64: 1024, 48>}]} {
    %get3A = arith.constant 0 : index
    %get3A_0 = arith.constant 0 : index
    %get3A_1 = vector.load %arg1[%get3A, %get3A_0] : memref<1024x1xi32, #tpu.memory_space<vmem>>, vector<1024x1xi32>
    %iota3A = tpu.iota {dimensions = array<i32: 1>} : vector<1x64xi32>
    %eq3A = vector.broadcast %get3A_1 : vector<1024x1xi32> to vector<1024x64xi32>
    %eq3A_2 = vector.broadcast %iota3A : vector<1x64xi32> to vector<1024x64xi32>
    %eq3A_3 = arith.cmpi eq, %eq3A, %eq3A_2 : vector<1024x64xi32>
    %convert_element_type3A = arith.extui %eq3A_3 : vector<1024x64xi1> to vector<1024x64xi32>
    %convert_element_type3A_4 = arith.sitofp %convert_element_type3A : vector<1024x64xi32> to vector<1024x64xf32>
    %get3A_5 = arith.constant 0 : index
    %get3A_6 = arith.constant 0 : index
    %get3A_7 = vector.load %arg4[%get3A_5, %get3A_6] : memref<64x49xf32, #tpu.memory_space<vmem>>, vector<64x49xf32>
    %slice3A = vector.extract_strided_slice %get3A_7 {offsets = [0, 48], sizes = [64, 1], strides = [1, 1]} : vector<64x49xf32> to vector<64x1xf32>
    %gt3A = arith.constant 0.000000e+00 : f32
    %gt3A_8 = vector.broadcast %gt3A : f32 to vector<64x1xf32>
    %gt3A_9 = arith.cmpf ogt, %slice3A, %gt3A_8 : vector<64x1xf32>
    %slice3A_10 = vector.extract_strided_slice %get3A_7 {offsets = [0, 0], sizes = [64, 48], strides = [1, 1]} : vector<64x49xf32> to vector<64x48xf32>
    %max3A = arith.constant 1.000000e+00 : f32
    %max3A_11 = vector.broadcast %max3A : f32 to vector<64x1xf32>
    %max3A_12 = arith.maximumf %slice3A, %max3A_11 : vector<64x1xf32>
    %div3A = vector.broadcast %max3A_12 : vector<64x1xf32> to vector<64x48xf32>
    %div3A_13 = arith.divf %slice3A_10, %div3A : vector<64x48xf32>
    %jit3A = arith.constant 0.000000e+00 : f32
    %broadcast_in_dim3A = vector.shape_cast %gt3A_9 : vector<64x1xi1> to vector<64x1xi1>
    %broadcast_in_dim3A_14 = vector.broadcast %broadcast_in_dim3A : vector<64x1xi1> to vector<64x48xi1>
    %broadcast_in_dim3A_15 = vector.broadcast %jit3A : f32 to vector<64x48xf32>
    %select_n3A = arith.select %broadcast_in_dim3A_14, %div3A_13, %broadcast_in_dim3A_15 : vector<64x48xi1>, vector<64x48xf32>
    %get3A_16 = arith.constant 0 : index
    %get3A_17 = arith.constant 0 : index
    %get3A_18 = vector.load %arg2[%get3A_16, %get3A_17] : memref<1024x48xf32, #tpu.memory_space<vmem>>, vector<1024x48xf32>
    %dot_general3A = arith.constant dense<0.000000e+00> : vector<1024x48xf32>
    %dot_general3A_19 = tpu.matmul %convert_element_type3A_4, %select_n3A, %dot_general3A {dimension_numbers = #tpu.dot_dimension_numbers<[1], [0], [0], [1], [0, 0, 1, 1], [], []>, precision = #tpu.contract_precision<fp32>, transpose_lhs_hint = false} : vector<1024x64xf32>, vector<64x48xf32>, vector<1024x48xf32> -> vector<1024x48xf32>
    %sub3A = arith.subf %get3A_18, %dot_general3A_19 : vector<1024x48xf32>
    %gt3A_20 = arith.constant 0.000000e+00 : f32
    %gt3A_21 = vector.broadcast %gt3A_20 : f32 to vector<64x1xf32>
    %gt3A_22 = arith.cmpf ogt, %slice3A, %gt3A_21 : vector<64x1xf32>
    %get3A_23 = arith.constant 0 : index
    %get3A_24 = arith.constant 0 : index
    %get3A_25 = vector.load %arg5[%get3A_23, %get3A_24] : memref<64x16xf32, #tpu.memory_space<vmem>>, vector<64x16xf32>
    %max3A_26 = arith.constant 1.000000e+00 : f32
    %max3A_27 = vector.broadcast %max3A_26 : f32 to vector<64x1xf32>
    %max3A_28 = arith.maximumf %slice3A, %max3A_27 : vector<64x1xf32>
    %div3A_29 = vector.broadcast %max3A_28 : vector<64x1xf32> to vector<64x16xf32>
    %div3A_30 = arith.divf %get3A_25, %div3A_29 : vector<64x16xf32>
    %jit3A_31 = arith.constant 0.000000e+00 : f32
    %broadcast_in_dim3A_32 = vector.shape_cast %gt3A_22 : vector<64x1xi1> to vector<64x1xi1>
    %broadcast_in_dim3A_33 = vector.broadcast %broadcast_in_dim3A_32 : vector<64x1xi1> to vector<64x16xi1>
    %broadcast_in_dim3A_34 = vector.broadcast %jit3A_31 : f32 to vector<64x16xf32>
    %select_n3A_35 = arith.select %broadcast_in_dim3A_33, %div3A_30, %broadcast_in_dim3A_34 : vector<64x16xi1>, vector<64x16xf32>
    %dot_general3A_36 = arith.constant dense<0.000000e+00> : vector<1024x16xf32>
    %dot_general3A_37 = tpu.matmul %convert_element_type3A_4, %select_n3A_35, %dot_general3A_36 {dimension_numbers = #tpu.dot_dimension_numbers<[1], [0], [0], [1], [0, 0, 1, 1], [], []>, precision = #tpu.contract_precision<fp32>, transpose_lhs_hint = false} : vector<1024x64xf32>, vector<64x16xf32>, vector<1024x16xf32> -> vector<1024x16xf32>
    %get3A_38 = arith.constant 0 : index
    %get3A_39 = arith.constant 0 : index
    %get3A_40 = vector.load %arg11[%get3A_38, %get3A_39] : memref<1x16xf32, #tpu.memory_space<vmem>>, vector<1x16xf32>
    %add3A = arith.constant 9.99999974E-6 : f32
    %add3A_41 = vector.broadcast %add3A : f32 to vector<1024x16xf32>
    %add3A_42 = arith.addf %dot_general3A_37, %add3A_41 : vector<1024x16xf32>
    %div3A_43 = vector.broadcast %get3A_40 : vector<1x16xf32> to vector<1024x16xf32>
    %div3A_44 = arith.divf %div3A_43, %add3A_42 : vector<1024x16xf32>
    %slice3A_45 = vector.extract_strided_slice %sub3A {offsets = [0, 0], sizes = [1024, 16], strides = [1, 1]} : vector<1024x48xf32> to vector<1024x16xf32>
    %slice3A_46 = vector.extract_strided_slice %sub3A {offsets = [0, 16], sizes = [1024, 16], strides = [1, 1]} : vector<1024x48xf32> to vector<1024x16xf32>
    %slice3A_47 = vector.extract_strided_slice %sub3A {offsets = [0, 32], sizes = [1024, 16], strides = [1, 1]} : vector<1024x48xf32> to vector<1024x16xf32>
    %mul3A = arith.mulf %slice3A_45, %div3A_44 : vector<1024x16xf32>
    %mul3A_48 = arith.mulf %slice3A_46, %div3A_44 : vector<1024x16xf32>
    %mul3A_49 = arith.mulf %slice3A_47, %div3A_44 : vector<1024x16xf32>
    %concatenate3A = tpu.concatenate %mul3A, %mul3A_48, %mul3A_49 in 1 : vector<1024x16xf32>, vector<1024x16xf32>, vector<1024x16xf32> -> vector<1024x48xf32>
    %get3A_50 = arith.constant 0 : index
    %get3A_51 = arith.constant 0 : index
    %get3A_52 = vector.load %arg3[%get3A_50, %get3A_51] : memref<1024x128xf32, #tpu.memory_space<vmem>>, vector<1024x128xf32>
    %get3A_53 = arith.constant 0 : index
    %get3A_54 = arith.constant 0 : index
    %get3A_55 = vector.load %arg7[%get3A_53, %get3A_54] : memref<128x64xf32, #tpu.memory_space<vmem>>, vector<128x64xf32>
    %dot_general3A_56 = arith.constant dense<0.000000e+00> : vector<1024x64xf32>
    %dot_general3A_57 = tpu.matmul %get3A_52, %get3A_55, %dot_general3A_56 {dimension_numbers = #tpu.dot_dimension_numbers<[1], [0], [0], [1], [0, 0, 1, 1], [], []>, precision = #tpu.contract_precision<fp32>, transpose_lhs_hint = false} : vector<1024x128xf32>, vector<128x64xf32>, vector<1024x64xf32> -> vector<1024x64xf32>
    %get3A_58 = arith.constant 0 : index
    %get3A_59 = arith.constant 0 : index
    %get3A_60 = vector.load %arg8[%get3A_58, %get3A_59] : memref<1x64xf32, #tpu.memory_space<vmem>>, vector<1x64xf32>
    %add3A_61 = vector.broadcast %get3A_60 : vector<1x64xf32> to vector<1024x64xf32>
    %add3A_62 = arith.addf %dot_general3A_57, %add3A_61 : vector<1024x64xf32>
    %logistic3A = arith.negf %add3A_62 : vector<1024x64xf32>
    %logistic3A_63 = math.exp %logistic3A : vector<1024x64xf32>
    %logistic3A_64 = arith.constant 1.000000e+00 : f32
    %logistic3A_65 = vector.broadcast %logistic3A_64 : f32 to vector<1024x64xf32>
    %logistic3A_66 = arith.addf %logistic3A_65, %logistic3A_63 : vector<1024x64xf32>
    %logistic3A_67 = arith.divf %logistic3A_65, %logistic3A_66 : vector<1024x64xf32>
    %mul3A_68 = arith.mulf %add3A_62, %logistic3A_67 : vector<1024x64xf32>
    %reduce_sum3A = arith.constant dense<0.000000e+00> : vector<1024xf32>
    %reduce_sum3A_69 = vector.multi_reduction <add>, %mul3A_68, %reduce_sum3A [1] : vector<1024x64xf32> to vector<1024xf32>
    %broadcast_in_dim3A_70 = vector.shape_cast %reduce_sum3A_69 : vector<1024xf32> to vector<1024x1xf32>
    %div3A_71 = arith.constant 6.400000e+01 : f32
    %div3A_72 = vector.broadcast %div3A_71 : f32 to vector<1024x1xf32>
    %div3A_73 = arith.divf %broadcast_in_dim3A_70, %div3A_72 : vector<1024x1xf32>
    %sub3A_74 = vector.broadcast %div3A_73 : vector<1024x1xf32> to vector<1024x64xf32>
    %sub3A_75 = arith.subf %mul3A_68, %sub3A_74 : vector<1024x64xf32>
    %integer_pow3A = arith.mulf %sub3A_75, %sub3A_75 : vector<1024x64xf32>
    %reduce_sum3A_76 = arith.constant dense<0.000000e+00> : vector<1024xf32>
    %reduce_sum3A_77 = vector.multi_reduction <add>, %integer_pow3A, %reduce_sum3A_76 [1] : vector<1024x64xf32> to vector<1024xf32>
    %broadcast_in_dim3A_78 = vector.shape_cast %reduce_sum3A_77 : vector<1024xf32> to vector<1024x1xf32>
    %div3A_79 = arith.constant 6.400000e+01 : f32
    %div3A_80 = vector.broadcast %div3A_79 : f32 to vector<1024x1xf32>
    %div3A_81 = arith.divf %broadcast_in_dim3A_78, %div3A_80 : vector<1024x1xf32>
    %sub3A_82 = vector.broadcast %div3A_73 : vector<1024x1xf32> to vector<1024x64xf32>
    %sub3A_83 = arith.subf %mul3A_68, %sub3A_82 : vector<1024x64xf32>
    %add3A_84 = arith.constant 9.99999974E-6 : f32
    %add3A_85 = vector.broadcast %add3A_84 : f32 to vector<1024x1xf32>
    %add3A_86 = arith.addf %div3A_81, %add3A_85 : vector<1024x1xf32>
    %sqrt3A = math.sqrt %add3A_86 : vector<1024x1xf32>
    %div3A_87 = vector.broadcast %sqrt3A : vector<1024x1xf32> to vector<1024x64xf32>
    %div3A_88 = arith.divf %sub3A_83, %div3A_87 : vector<1024x64xf32>
    %get3A_89 = arith.constant 0 : index
    %get3A_90 = arith.constant 0 : index
    %get3A_91 = vector.load %arg9[%get3A_89, %get3A_90] : memref<1x64xf32, #tpu.memory_space<vmem>>, vector<1x64xf32>
    %mul3A_92 = vector.broadcast %get3A_91 : vector<1x64xf32> to vector<1024x64xf32>
    %mul3A_93 = arith.mulf %div3A_88, %mul3A_92 : vector<1024x64xf32>
    %get3A_94 = arith.constant 0 : index
    %get3A_95 = arith.constant 0 : index
    %get3A_96 = vector.load %arg10[%get3A_94, %get3A_95] : memref<1x64xf32, #tpu.memory_space<vmem>>, vector<1x64xf32>
    %add3A_97 = vector.broadcast %get3A_96 : vector<1x64xf32> to vector<1024x64xf32>
    %add3A_98 = arith.addf %mul3A_93, %add3A_97 : vector<1024x64xf32>
    %get3A_99 = arith.constant 0 : index
    %get3A_100 = arith.constant 0 : index
    %get3A_101 = vector.load %arg12[%get3A_99, %get3A_100] : memref<64x64xf32, #tpu.memory_space<vmem>>, vector<64x64xf32>
    %dot_general3A_102 = arith.constant dense<0.000000e+00> : vector<1024x64xf32>
    %dot_general3A_103 = tpu.matmul %add3A_98, %get3A_101, %dot_general3A_102 {dimension_numbers = #tpu.dot_dimension_numbers<[1], [0], [0], [1], [0, 0, 1, 1], [], []>, precision = #tpu.contract_precision<fp32>, transpose_lhs_hint = false} : vector<1024x64xf32>, vector<64x64xf32>, vector<1024x64xf32> -> vector<1024x64xf32>
    %get3A_104 = arith.constant 0 : index
    %get3A_105 = arith.constant 0 : index
    %get3A_106 = vector.load %arg6[%get3A_104, %get3A_105] : memref<64x128xf32, #tpu.memory_space<vmem>>, vector<64x128xf32>
    %get3A_107 = arith.constant 0 : index
    %get3A_108 = arith.constant 0 : index
    %get3A_109 = vector.load %arg14[%get3A_107, %get3A_108] : memref<128x64xf32, #tpu.memory_space<vmem>>, vector<128x64xf32>
    %dot_general3A_110 = arith.constant dense<0.000000e+00> : vector<64x64xf32>
    %dot_general3A_111 = tpu.matmul %get3A_106, %get3A_109, %dot_general3A_110 {dimension_numbers = #tpu.dot_dimension_numbers<[1], [0], [0], [1], [0, 0, 1, 1], [], []>, precision = #tpu.contract_precision<fp32>, transpose_lhs_hint = false} : vector<64x128xf32>, vector<128x64xf32>, vector<64x64xf32> -> vector<64x64xf32>
    %get3A_112 = arith.constant 0 : index
    %get3A_113 = arith.constant 0 : index
    %get3A_114 = vector.load %arg13[%get3A_112, %get3A_113] : memref<64x64xf32, #tpu.memory_space<vmem>>, vector<64x64xf32>
    %dot_general3A_115 = arith.constant dense<0.000000e+00> : vector<1024x64xf32>
    %dot_general3A_116 = tpu.matmul %add3A_98, %get3A_114, %dot_general3A_115 {dimension_numbers = #tpu.dot_dimension_numbers<[1], [0], [0], [1], [0, 0, 1, 1], [], []>, precision = #tpu.contract_precision<fp32>, transpose_lhs_hint = false} : vector<1024x64xf32>, vector<64x64xf32>, vector<1024x64xf32> -> vector<1024x64xf32>
    %dot_general3A_117 = arith.constant dense<0.000000e+00> : vector<1024x64xf32>
    %dot_general3A_118 = tpu.matmul %convert_element_type3A_4, %dot_general3A_111, %dot_general3A_117 {dimension_numbers = #tpu.dot_dimension_numbers<[1], [0], [0], [1], [0, 0, 1, 1], [], []>, precision = #tpu.contract_precision<fp32>, transpose_lhs_hint = false} : vector<1024x64xf32>, vector<64x64xf32>, vector<1024x64xf32> -> vector<1024x64xf32>
    %add3A_119 = arith.addf %dot_general3A_116, %dot_general3A_118 : vector<1024x64xf32>
    %get3A_120 = arith.constant 0 : index
    %get3A_121 = arith.constant 0 : index
    %get3A_122 = vector.load %arg15[%get3A_120, %get3A_121] : memref<1x64xf32, #tpu.memory_space<vmem>>, vector<1x64xf32>
    %add3A_123 = vector.broadcast %get3A_122 : vector<1x64xf32> to vector<1024x64xf32>
    %add3A_124 = arith.addf %add3A_119, %add3A_123 : vector<1024x64xf32>
    %broadcast_in_dim3A_125 = arith.constant 0.000000e+00 : f32
    %broadcast_in_dim3A_126 = vector.broadcast %broadcast_in_dim3A_125 : f32 to vector<1024x16xf32>
    %concatenate3A_127 = tpu.concatenate %add3A_124, %concatenate3A, %broadcast_in_dim3A_126 in 1 : vector<1024x64xf32>, vector<1024x48xf32>, vector<1024x16xf32> -> vector<1024x128xf32>
    %swap3A = arith.constant 0 : index
    %swap3A_128 = arith.constant 0 : index
    %swap3A_129 = vector.load %arg16[%swap3A, %swap3A_128] : memref<1024x128xf32, #tpu.memory_space<vmem>>, vector<1024x128xf32>
    tpu.vector_store %arg16[%swap3A, %swap3A_128], %concatenate3A_127 {strides = array<i32>} : memref<1024x128xf32, #tpu.memory_space<vmem>>, vector<1024x128xf32>,
    %concatenate3A_130 = tpu.concatenate %dot_general3A_103, %concatenate3A, %broadcast_in_dim3A_126 in 1 : vector<1024x64xf32>, vector<1024x48xf32>, vector<1024x16xf32> -> vector<1024x128xf32>
    %swap3A_131 = arith.constant 0 : index
    %swap3A_132 = arith.constant 0 : index
    %swap3A_133 = vector.load %arg17[%swap3A_131, %swap3A_132] : memref<1024x128xf32, #tpu.memory_space<vmem>>, vector<1024x128xf32>
    tpu.vector_store %arg17[%swap3A_131, %swap3A_132], %concatenate3A_130 {strides = array<i32>} : memref<1024x128xf32, #tpu.memory_space<vmem>>, vector<1024x128xf32>,
    %swap3A_134 = arith.constant 0 : index
    %swap3A_135 = arith.constant 0 : index
    %swap3A_136 = vector.load %arg18[%swap3A_134, %swap3A_135] : memref<1024x48xf32, #tpu.memory_space<vmem>>, vector<1024x48xf32>
    tpu.vector_store %arg18[%swap3A_134, %swap3A_135], %concatenate3A {strides = array<i32>} : memref<1024x48xf32, #tpu.memory_space<vmem>>, vector<1024x48xf32>,
    return
  }
  func.func @transform_0(%arg0: i32) -> (i32, i32) {
    %c0_i32 = arith.constant 0 : i32
    %c0_i32_0 = arith.constant 0 : i32
    return %arg0, %c0_i32 : i32, i32
  }
  func.func @transform_1(%arg0: i32) -> (i32, i32) {
    %c0_i32 = arith.constant 0 : i32
    %c0_i32_0 = arith.constant 0 : i32
    return %arg0, %c0_i32 : i32, i32
  }
  func.func @transform_2(%arg0: i32) -> (i32, i32) {
    %c0_i32 = arith.constant 0 : i32
    %c0_i32_0 = arith.constant 0 : i32
    return %arg0, %c0_i32 : i32, i32
  }
  func.func @transform_3(%arg0: i32) -> (i32, i32) {
    %c0_i32 = arith.constant 0 : i32
    %c0_i32_0 = arith.constant 0 : i32
    %c0_i32_1 = arith.constant 0 : i32
    return %c0_i32, %c0_i32_0 : i32, i32
  }
  func.func @transform_4(%arg0: i32) -> (i32, i32) {
    %c0_i32 = arith.constant 0 : i32
    %c0_i32_0 = arith.constant 0 : i32
    %c0_i32_1 = arith.constant 0 : i32
    return %c0_i32, %c0_i32_0 : i32, i32
  }
  func.func @transform_5(%arg0: i32) -> (i32, i32) {
    %c0_i32 = arith.constant 0 : i32
    %c0_i32_0 = arith.constant 0 : i32
    %c0_i32_1 = arith.constant 0 : i32
    return %c0_i32, %c0_i32_0 : i32, i32
  }
  func.func @transform_6(%arg0: i32) -> (i32, i32) {
    %c0_i32 = arith.constant 0 : i32
    %c0_i32_0 = arith.constant 0 : i32
    %c0_i32_1 = arith.constant 0 : i32
    return %c0_i32, %c0_i32_0 : i32, i32
  }
  func.func @transform_7(%arg0: i32) -> (i32, i32) {
    %c0_i32 = arith.constant 0 : i32
    %c0_i32_0 = arith.constant 0 : i32
    %c0_i32_1 = arith.constant 0 : i32
    return %c0_i32, %c0_i32_0 : i32, i32
  }
  func.func @transform_8(%arg0: i32) -> (i32, i32) {
    %c0_i32 = arith.constant 0 : i32
    %c0_i32_0 = arith.constant 0 : i32
    %c0_i32_1 = arith.constant 0 : i32
    return %c0_i32, %c0_i32_0 : i32, i32
  }
  func.func @transform_9(%arg0: i32) -> (i32, i32) {
    %c0_i32 = arith.constant 0 : i32
    %c0_i32_0 = arith.constant 0 : i32
    %c0_i32_1 = arith.constant 0 : i32
    return %c0_i32, %c0_i32_0 : i32, i32
  }
  func.func @transform_10(%arg0: i32) -> (i32, i32) {
    %c0_i32 = arith.constant 0 : i32
    %c0_i32_0 = arith.constant 0 : i32
    %c0_i32_1 = arith.constant 0 : i32
    return %c0_i32, %c0_i32_0 : i32, i32
  }
  func.func @transform_11(%arg0: i32) -> (i32, i32) {
    %c0_i32 = arith.constant 0 : i32
    %c0_i32_0 = arith.constant 0 : i32
    %c0_i32_1 = arith.constant 0 : i32
    return %c0_i32, %c0_i32_0 : i32, i32
  }
  func.func @transform_12(%arg0: i32) -> (i32, i32) {
    %c0_i32 = arith.constant 0 : i32
    %c0_i32_0 = arith.constant 0 : i32
    %c0_i32_1 = arith.constant 0 : i32
    return %c0_i32, %c0_i32_0 : i32, i32
  }
  func.func @transform_13(%arg0: i32) -> (i32, i32) {
    %c0_i32 = arith.constant 0 : i32
    %c0_i32_0 = arith.constant 0 : i32
    %c0_i32_1 = arith.constant 0 : i32
    return %c0_i32, %c0_i32_0 : i32, i32
  }
  func.func @transform_14(%arg0: i32) -> (i32, i32) {
    %c0_i32 = arith.constant 0 : i32
    %c0_i32_0 = arith.constant 0 : i32
    %c0_i32_1 = arith.constant 0 : i32
    return %c0_i32, %c0_i32_0 : i32, i32
  }
  func.func @transform_15(%arg0: i32) -> (i32, i32) {
    %c0_i32 = arith.constant 0 : i32
    %c0_i32_0 = arith.constant 0 : i32
    return %arg0, %c0_i32 : i32, i32
  }
  func.func @transform_16(%arg0: i32) -> (i32, i32) {
    %c0_i32 = arith.constant 0 : i32
    %c0_i32_0 = arith.constant 0 : i32
    return %arg0, %c0_i32 : i32, i32
  }
  func.func @transform_17(%arg0: i32) -> (i32, i32) {
    %c0_i32 = arith.constant 0 : i32
    %c0_i32_0 = arith.constant 0 : i32
    return %arg0, %c0_i32 : i32, i32
  }
}

module attributes {stable_mosaic.version = 14 : i64} {
  func.func @_edge_kernel(%arg0: i32, %arg1: memref<512x128xf32, #tpu.memory_space<vmem>>, %arg2: memref<512x128xf32, #tpu.memory_space<vmem>>, %arg3: memref<16x4xf32, #tpu.memory_space<vmem>>, %arg4: memref<4x64xf32, #tpu.memory_space<vmem>>, %arg5: memref<64x64xf32, #tpu.memory_space<vmem>>, %arg6: memref<1x64xf32, #tpu.memory_space<vmem>>, %arg7: memref<64x64xf32, #tpu.memory_space<vmem>>, %arg8: memref<1x64xf32, #tpu.memory_space<vmem>>, %arg9: memref<64x16xf32, #tpu.memory_space<vmem>>, %arg10: memref<1x16xf32, #tpu.memory_space<vmem>>, %arg11: memref<64x64xf32, #tpu.memory_space<vmem>>, %arg12: memref<1x64xf32, #tpu.memory_space<vmem>>, %arg13: memref<64x16xf32, #tpu.memory_space<vmem>>, %arg14: memref<1x16xf32, #tpu.memory_space<vmem>>, %arg15: memref<512x128xf32, #tpu.memory_space<vmem>>) attributes {dimension_semantics = [#tpu.dimension_semantics<arbitrary>], iteration_bounds = array<i64: 625>, scalar_prefetch = 0 : i64, scratch_operands = 0 : i64, tpu.core_type = #tpu.core_type<tc>, window_params = [{transform_indices = @transform_0, window_bounds = array<i64: 512, 128>}, {transform_indices = @transform_1, window_bounds = array<i64: 512, 128>}, {pipeline_mode = #tpu.pipeline_mode<synchronous>, transform_indices = @transform_2, window_bounds = array<i64: 16, 4>}, {pipeline_mode = #tpu.pipeline_mode<synchronous>, transform_indices = @transform_3, window_bounds = array<i64: 4, 64>}, {pipeline_mode = #tpu.pipeline_mode<synchronous>, transform_indices = @transform_4, window_bounds = array<i64: 64, 64>}, {pipeline_mode = #tpu.pipeline_mode<synchronous>, transform_indices = @transform_5, window_bounds = array<i64: 1, 64>}, {pipeline_mode = #tpu.pipeline_mode<synchronous>, transform_indices = @transform_6, window_bounds = array<i64: 64, 64>}, {pipeline_mode = #tpu.pipeline_mode<synchronous>, transform_indices = @transform_7, window_bounds = array<i64: 1, 64>}, {pipeline_mode = #tpu.pipeline_mode<synchronous>, transform_indices = @transform_8, window_bounds = array<i64: 64, 16>}, {pipeline_mode = #tpu.pipeline_mode<synchronous>, transform_indices = @transform_9, window_bounds = array<i64: 1, 16>}, {pipeline_mode = #tpu.pipeline_mode<synchronous>, transform_indices = @transform_10, window_bounds = array<i64: 64, 64>}, {pipeline_mode = #tpu.pipeline_mode<synchronous>, transform_indices = @transform_11, window_bounds = array<i64: 1, 64>}, {pipeline_mode = #tpu.pipeline_mode<synchronous>, transform_indices = @transform_12, window_bounds = array<i64: 64, 16>}, {pipeline_mode = #tpu.pipeline_mode<synchronous>, transform_indices = @transform_13, window_bounds = array<i64: 1, 16>}, {transform_indices = @transform_14, window_bounds = array<i64: 512, 128>}]} {
    %get3A = arith.constant 0 : index
    %get3A_0 = arith.constant 0 : index
    %get3A_1 = vector.load %arg1[%get3A, %get3A_0] : memref<512x128xf32, #tpu.memory_space<vmem>>, vector<512x128xf32>
    %get3A_2 = arith.constant 0 : index
    %get3A_3 = arith.constant 0 : index
    %get3A_4 = vector.load %arg2[%get3A_2, %get3A_3] : memref<512x128xf32, #tpu.memory_space<vmem>>, vector<512x128xf32>
    %sub3A = arith.subf %get3A_1, %get3A_4 : vector<512x128xf32>
    %slice3A = vector.extract_strided_slice %get3A_1 {offsets = [0, 0], sizes = [512, 64], strides = [1, 1]} : vector<512x128xf32> to vector<512x64xf32>
    %slice3A_5 = vector.extract_strided_slice %get3A_4 {offsets = [0, 0], sizes = [512, 64], strides = [1, 1]} : vector<512x128xf32> to vector<512x64xf32>
    %add3A = arith.addf %slice3A, %slice3A_5 : vector<512x64xf32>
    %slice3A_6 = vector.extract_strided_slice %sub3A {offsets = [0, 64], sizes = [512, 16], strides = [1, 1]} : vector<512x128xf32> to vector<512x16xf32>
    %slice3A_7 = vector.extract_strided_slice %sub3A {offsets = [0, 80], sizes = [512, 16], strides = [1, 1]} : vector<512x128xf32> to vector<512x16xf32>
    %slice3A_8 = vector.extract_strided_slice %sub3A {offsets = [0, 96], sizes = [512, 16], strides = [1, 1]} : vector<512x128xf32> to vector<512x16xf32>
    %slice3A_9 = vector.extract_strided_slice %get3A_1 {offsets = [0, 64], sizes = [512, 16], strides = [1, 1]} : vector<512x128xf32> to vector<512x16xf32>
    %slice3A_10 = vector.extract_strided_slice %get3A_1 {offsets = [0, 80], sizes = [512, 16], strides = [1, 1]} : vector<512x128xf32> to vector<512x16xf32>
    %slice3A_11 = vector.extract_strided_slice %get3A_1 {offsets = [0, 96], sizes = [512, 16], strides = [1, 1]} : vector<512x128xf32> to vector<512x16xf32>
    %get3A_12 = arith.constant 0 : index
    %get3A_13 = arith.constant 0 : index
    %get3A_14 = vector.load %arg3[%get3A_12, %get3A_13] : memref<16x4xf32, #tpu.memory_space<vmem>>, vector<16x4xf32>
    %dot_general3A = arith.constant dense<0.000000e+00> : vector<512x4xf32>
    %dot_general3A_15 = tpu.matmul %slice3A_6, %get3A_14, %dot_general3A {dimension_numbers = #tpu.dot_dimension_numbers<[1], [0], [0], [1], [0, 0, 1, 1], [], []>, precision = #tpu.contract_precision<fp32>, transpose_lhs_hint = false} : vector<512x16xf32>, vector<16x4xf32>, vector<512x4xf32> -> vector<512x4xf32>
    %dot_general3A_16 = arith.constant dense<0.000000e+00> : vector<512x4xf32>
    %dot_general3A_17 = tpu.matmul %slice3A_7, %get3A_14, %dot_general3A_16 {dimension_numbers = #tpu.dot_dimension_numbers<[1], [0], [0], [1], [0, 0, 1, 1], [], []>, precision = #tpu.contract_precision<fp32>, transpose_lhs_hint = false} : vector<512x16xf32>, vector<16x4xf32>, vector<512x4xf32> -> vector<512x4xf32>
    %dot_general3A_18 = arith.constant dense<0.000000e+00> : vector<512x4xf32>
    %dot_general3A_19 = tpu.matmul %slice3A_8, %get3A_14, %dot_general3A_18 {dimension_numbers = #tpu.dot_dimension_numbers<[1], [0], [0], [1], [0, 0, 1, 1], [], []>, precision = #tpu.contract_precision<fp32>, transpose_lhs_hint = false} : vector<512x16xf32>, vector<16x4xf32>, vector<512x4xf32> -> vector<512x4xf32>
    %mul3A = arith.mulf %dot_general3A_15, %dot_general3A_15 : vector<512x4xf32>
    %mul3A_20 = arith.mulf %dot_general3A_17, %dot_general3A_17 : vector<512x4xf32>
    %add3A_21 = arith.addf %mul3A, %mul3A_20 : vector<512x4xf32>
    %mul3A_22 = arith.mulf %dot_general3A_19, %dot_general3A_19 : vector<512x4xf32>
    %add3A_23 = arith.addf %add3A_21, %mul3A_22 : vector<512x4xf32>
    %get3A_24 = arith.constant 0 : index
    %get3A_25 = arith.constant 0 : index
    %get3A_26 = vector.load %arg4[%get3A_24, %get3A_25] : memref<4x64xf32, #tpu.memory_space<vmem>>, vector<4x64xf32>
    %dot_general3A_27 = arith.constant dense<0.000000e+00> : vector<512x64xf32>
    %dot_general3A_28 = tpu.matmul %add3A_23, %get3A_26, %dot_general3A_27 {dimension_numbers = #tpu.dot_dimension_numbers<[1], [0], [0], [1], [0, 0, 1, 1], [], []>, precision = #tpu.contract_precision<fp32>, transpose_lhs_hint = false} : vector<512x4xf32>, vector<4x64xf32>, vector<512x64xf32> -> vector<512x64xf32>
    %add3A_29 = arith.addf %add3A, %dot_general3A_28 : vector<512x64xf32>
    %logistic3A = arith.negf %add3A_29 : vector<512x64xf32>
    %logistic3A_30 = math.exp %logistic3A : vector<512x64xf32>
    %logistic3A_31 = arith.constant 1.000000e+00 : f32
    %logistic3A_32 = vector.broadcast %logistic3A_31 : f32 to vector<512x64xf32>
    %logistic3A_33 = arith.addf %logistic3A_32, %logistic3A_30 : vector<512x64xf32>
    %logistic3A_34 = arith.divf %logistic3A_32, %logistic3A_33 : vector<512x64xf32>
    %mul3A_35 = arith.mulf %add3A_29, %logistic3A_34 : vector<512x64xf32>
    %get3A_36 = arith.constant 0 : index
    %get3A_37 = arith.constant 0 : index
    %get3A_38 = vector.load %arg5[%get3A_36, %get3A_37] : memref<64x64xf32, #tpu.memory_space<vmem>>, vector<64x64xf32>
    %dot_general3A_39 = arith.constant dense<0.000000e+00> : vector<512x64xf32>
    %dot_general3A_40 = tpu.matmul %mul3A_35, %get3A_38, %dot_general3A_39 {dimension_numbers = #tpu.dot_dimension_numbers<[1], [0], [0], [1], [0, 0, 1, 1], [], []>, precision = #tpu.contract_precision<fp32>, transpose_lhs_hint = false} : vector<512x64xf32>, vector<64x64xf32>, vector<512x64xf32> -> vector<512x64xf32>
    %get3A_41 = arith.constant 0 : index
    %get3A_42 = arith.constant 0 : index
    %get3A_43 = vector.load %arg6[%get3A_41, %get3A_42] : memref<1x64xf32, #tpu.memory_space<vmem>>, vector<1x64xf32>
    %add3A_44 = vector.broadcast %get3A_43 : vector<1x64xf32> to vector<512x64xf32>
    %add3A_45 = arith.addf %dot_general3A_40, %add3A_44 : vector<512x64xf32>
    %get3A_46 = arith.constant 0 : index
    %get3A_47 = arith.constant 0 : index
    %get3A_48 = vector.load %arg7[%get3A_46, %get3A_47] : memref<64x64xf32, #tpu.memory_space<vmem>>, vector<64x64xf32>
    %dot_general3A_49 = arith.constant dense<0.000000e+00> : vector<512x64xf32>
    %dot_general3A_50 = tpu.matmul %add3A_45, %get3A_48, %dot_general3A_49 {dimension_numbers = #tpu.dot_dimension_numbers<[1], [0], [0], [1], [0, 0, 1, 1], [], []>, precision = #tpu.contract_precision<fp32>, transpose_lhs_hint = false} : vector<512x64xf32>, vector<64x64xf32>, vector<512x64xf32> -> vector<512x64xf32>
    %get3A_51 = arith.constant 0 : index
    %get3A_52 = arith.constant 0 : index
    %get3A_53 = vector.load %arg8[%get3A_51, %get3A_52] : memref<1x64xf32, #tpu.memory_space<vmem>>, vector<1x64xf32>
    %add3A_54 = vector.broadcast %get3A_53 : vector<1x64xf32> to vector<512x64xf32>
    %add3A_55 = arith.addf %dot_general3A_50, %add3A_54 : vector<512x64xf32>
    %logistic3A_56 = arith.negf %add3A_55 : vector<512x64xf32>
    %logistic3A_57 = math.exp %logistic3A_56 : vector<512x64xf32>
    %logistic3A_58 = arith.constant 1.000000e+00 : f32
    %logistic3A_59 = vector.broadcast %logistic3A_58 : f32 to vector<512x64xf32>
    %logistic3A_60 = arith.addf %logistic3A_59, %logistic3A_57 : vector<512x64xf32>
    %logistic3A_61 = arith.divf %logistic3A_59, %logistic3A_60 : vector<512x64xf32>
    %mul3A_62 = arith.mulf %add3A_55, %logistic3A_61 : vector<512x64xf32>
    %get3A_63 = arith.constant 0 : index
    %get3A_64 = arith.constant 0 : index
    %get3A_65 = vector.load %arg9[%get3A_63, %get3A_64] : memref<64x16xf32, #tpu.memory_space<vmem>>, vector<64x16xf32>
    %dot_general3A_66 = arith.constant dense<0.000000e+00> : vector<512x16xf32>
    %dot_general3A_67 = tpu.matmul %mul3A_62, %get3A_65, %dot_general3A_66 {dimension_numbers = #tpu.dot_dimension_numbers<[1], [0], [0], [1], [0, 0, 1, 1], [], []>, precision = #tpu.contract_precision<fp32>, transpose_lhs_hint = false} : vector<512x64xf32>, vector<64x16xf32>, vector<512x16xf32> -> vector<512x16xf32>
    %get3A_68 = arith.constant 0 : index
    %get3A_69 = arith.constant 0 : index
    %get3A_70 = vector.load %arg10[%get3A_68, %get3A_69] : memref<1x16xf32, #tpu.memory_space<vmem>>, vector<1x16xf32>
    %add3A_71 = vector.broadcast %get3A_70 : vector<1x16xf32> to vector<512x16xf32>
    %add3A_72 = arith.addf %dot_general3A_67, %add3A_71 : vector<512x16xf32>
    %jit3A = arith.constant -1.000000e+01 : f32
    %jit3A_73 = arith.constant 1.000000e+01 : f32
    %max3A = vector.broadcast %jit3A : f32 to vector<512x16xf32>
    %max3A_74 = arith.maximumf %max3A, %add3A_72 : vector<512x16xf32>
    %min3A = vector.broadcast %jit3A_73 : f32 to vector<512x16xf32>
    %min3A_75 = arith.minimumf %min3A, %max3A_74 : vector<512x16xf32>
    %get3A_76 = arith.constant 0 : index
    %get3A_77 = arith.constant 0 : index
    %get3A_78 = vector.load %arg11[%get3A_76, %get3A_77] : memref<64x64xf32, #tpu.memory_space<vmem>>, vector<64x64xf32>
    %dot_general3A_79 = arith.constant dense<0.000000e+00> : vector<512x64xf32>
    %dot_general3A_80 = tpu.matmul %add3A_45, %get3A_78, %dot_general3A_79 {dimension_numbers = #tpu.dot_dimension_numbers<[1], [0], [0], [1], [0, 0, 1, 1], [], []>, precision = #tpu.contract_precision<fp32>, transpose_lhs_hint = false} : vector<512x64xf32>, vector<64x64xf32>, vector<512x64xf32> -> vector<512x64xf32>
    %get3A_81 = arith.constant 0 : index
    %get3A_82 = arith.constant 0 : index
    %get3A_83 = vector.load %arg12[%get3A_81, %get3A_82] : memref<1x64xf32, #tpu.memory_space<vmem>>, vector<1x64xf32>
    %add3A_84 = vector.broadcast %get3A_83 : vector<1x64xf32> to vector<512x64xf32>
    %add3A_85 = arith.addf %dot_general3A_80, %add3A_84 : vector<512x64xf32>
    %logistic3A_86 = arith.negf %add3A_85 : vector<512x64xf32>
    %logistic3A_87 = math.exp %logistic3A_86 : vector<512x64xf32>
    %logistic3A_88 = arith.constant 1.000000e+00 : f32
    %logistic3A_89 = vector.broadcast %logistic3A_88 : f32 to vector<512x64xf32>
    %logistic3A_90 = arith.addf %logistic3A_89, %logistic3A_87 : vector<512x64xf32>
    %logistic3A_91 = arith.divf %logistic3A_89, %logistic3A_90 : vector<512x64xf32>
    %mul3A_92 = arith.mulf %add3A_85, %logistic3A_91 : vector<512x64xf32>
    %get3A_93 = arith.constant 0 : index
    %get3A_94 = arith.constant 0 : index
    %get3A_95 = vector.load %arg13[%get3A_93, %get3A_94] : memref<64x16xf32, #tpu.memory_space<vmem>>, vector<64x16xf32>
    %dot_general3A_96 = arith.constant dense<0.000000e+00> : vector<512x16xf32>
    %dot_general3A_97 = tpu.matmul %mul3A_92, %get3A_95, %dot_general3A_96 {dimension_numbers = #tpu.dot_dimension_numbers<[1], [0], [0], [1], [0, 0, 1, 1], [], []>, precision = #tpu.contract_precision<fp32>, transpose_lhs_hint = false} : vector<512x64xf32>, vector<64x16xf32>, vector<512x16xf32> -> vector<512x16xf32>
    %get3A_98 = arith.constant 0 : index
    %get3A_99 = arith.constant 0 : index
    %get3A_100 = vector.load %arg14[%get3A_98, %get3A_99] : memref<1x16xf32, #tpu.memory_space<vmem>>, vector<1x16xf32>
    %add3A_101 = vector.broadcast %get3A_100 : vector<1x16xf32> to vector<512x16xf32>
    %add3A_102 = arith.addf %dot_general3A_97, %add3A_101 : vector<512x16xf32>
    %jit3A_103 = arith.constant -1.000000e+01 : f32
    %jit3A_104 = arith.constant 1.000000e+01 : f32
    %max3A_105 = vector.broadcast %jit3A_103 : f32 to vector<512x16xf32>
    %max3A_106 = arith.maximumf %max3A_105, %add3A_102 : vector<512x16xf32>
    %min3A_107 = vector.broadcast %jit3A_104 : f32 to vector<512x16xf32>
    %min3A_108 = arith.minimumf %min3A_107, %max3A_106 : vector<512x16xf32>
    %mul3A_109 = arith.mulf %slice3A_6, %slice3A_6 : vector<512x16xf32>
    %mul3A_110 = arith.mulf %slice3A_7, %slice3A_7 : vector<512x16xf32>
    %add3A_111 = arith.addf %mul3A_109, %mul3A_110 : vector<512x16xf32>
    %mul3A_112 = arith.mulf %slice3A_8, %slice3A_8 : vector<512x16xf32>
    %add3A_113 = arith.addf %add3A_111, %mul3A_112 : vector<512x16xf32>
    %add3A_114 = arith.constant 9.99999993E-9 : f32
    %add3A_115 = vector.broadcast %add3A_114 : f32 to vector<512x16xf32>
    %add3A_116 = arith.addf %add3A_113, %add3A_115 : vector<512x16xf32>
    %sqrt3A = math.sqrt %add3A_116 : vector<512x16xf32>
    %add3A_117 = arith.constant 1.000000e+00 : f32
    %add3A_118 = vector.broadcast %add3A_117 : f32 to vector<512x16xf32>
    %add3A_119 = arith.addf %add3A_118, %sqrt3A : vector<512x16xf32>
    %div3A = arith.divf %min3A_75, %add3A_119 : vector<512x16xf32>
    %mul3A_120 = arith.mulf %slice3A_7, %slice3A_11 : vector<512x16xf32>
    %mul3A_121 = arith.mulf %slice3A_8, %slice3A_10 : vector<512x16xf32>
    %sub3A_122 = arith.subf %mul3A_120, %mul3A_121 : vector<512x16xf32>
    %mul3A_123 = arith.mulf %slice3A_8, %slice3A_9 : vector<512x16xf32>
    %mul3A_124 = arith.mulf %slice3A_6, %slice3A_11 : vector<512x16xf32>
    %sub3A_125 = arith.subf %mul3A_123, %mul3A_124 : vector<512x16xf32>
    %mul3A_126 = arith.mulf %slice3A_6, %slice3A_10 : vector<512x16xf32>
    %mul3A_127 = arith.mulf %slice3A_7, %slice3A_9 : vector<512x16xf32>
    %sub3A_128 = arith.subf %mul3A_126, %mul3A_127 : vector<512x16xf32>
    %mul3A_129 = arith.mulf %sub3A_122, %sub3A_122 : vector<512x16xf32>
    %mul3A_130 = arith.mulf %sub3A_125, %sub3A_125 : vector<512x16xf32>
    %add3A_131 = arith.addf %mul3A_129, %mul3A_130 : vector<512x16xf32>
    %mul3A_132 = arith.mulf %sub3A_128, %sub3A_128 : vector<512x16xf32>
    %add3A_133 = arith.addf %add3A_131, %mul3A_132 : vector<512x16xf32>
    %sqrt3A_134 = math.sqrt %add3A_133 : vector<512x16xf32>
    %add3A_135 = arith.constant 1.000000e+00 : f32
    %add3A_136 = vector.broadcast %add3A_135 : f32 to vector<512x16xf32>
    %add3A_137 = arith.addf %add3A_136, %sqrt3A_134 : vector<512x16xf32>
    %div3A_138 = arith.divf %min3A_108, %add3A_137 : vector<512x16xf32>
    %broadcast_in_dim3A = arith.constant 0.000000e+00 : f32
    %broadcast_in_dim3A_139 = vector.broadcast %broadcast_in_dim3A : f32 to vector<512x80xf32>
    %mul3A_140 = arith.mulf %slice3A_6, %div3A : vector<512x16xf32>
    %mul3A_141 = arith.mulf %sub3A_122, %div3A_138 : vector<512x16xf32>
    %add3A_142 = arith.addf %mul3A_140, %mul3A_141 : vector<512x16xf32>
    %mul3A_143 = arith.mulf %slice3A_7, %div3A : vector<512x16xf32>
    %mul3A_144 = arith.mulf %sub3A_125, %div3A_138 : vector<512x16xf32>
    %add3A_145 = arith.addf %mul3A_143, %mul3A_144 : vector<512x16xf32>
    %mul3A_146 = arith.mulf %slice3A_8, %div3A : vector<512x16xf32>
    %mul3A_147 = arith.mulf %sub3A_128, %div3A_138 : vector<512x16xf32>
    %add3A_148 = arith.addf %mul3A_146, %mul3A_147 : vector<512x16xf32>
    %concatenate3A = tpu.concatenate %add3A_142, %add3A_145, %add3A_148, %broadcast_in_dim3A_139 in 1 : vector<512x16xf32>, vector<512x16xf32>, vector<512x16xf32>, vector<512x80xf32> -> vector<512x128xf32>
    %swap3A = arith.constant 0 : index
    %swap3A_149 = arith.constant 0 : index
    %swap3A_150 = vector.load %arg15[%swap3A, %swap3A_149] : memref<512x128xf32, #tpu.memory_space<vmem>>, vector<512x128xf32>
    tpu.vector_store %arg15[%swap3A, %swap3A_149], %concatenate3A {strides = array<i32>} : memref<512x128xf32, #tpu.memory_space<vmem>>, vector<512x128xf32>,
    return
  }
  func.func @transform_0(%arg0: i32) -> (i32, i32) {
    %c0_i32 = arith.constant 0 : i32
    %c0_i32_0 = arith.constant 0 : i32
    return %arg0, %c0_i32 : i32, i32
  }
  func.func @transform_1(%arg0: i32) -> (i32, i32) {
    %c0_i32 = arith.constant 0 : i32
    %c0_i32_0 = arith.constant 0 : i32
    return %arg0, %c0_i32 : i32, i32
  }
  func.func @transform_2(%arg0: i32) -> (i32, i32) {
    %c0_i32 = arith.constant 0 : i32
    %c0_i32_0 = arith.constant 0 : i32
    %c0_i32_1 = arith.constant 0 : i32
    return %c0_i32, %c0_i32_0 : i32, i32
  }
  func.func @transform_3(%arg0: i32) -> (i32, i32) {
    %c0_i32 = arith.constant 0 : i32
    %c0_i32_0 = arith.constant 0 : i32
    %c0_i32_1 = arith.constant 0 : i32
    return %c0_i32, %c0_i32_0 : i32, i32
  }
  func.func @transform_4(%arg0: i32) -> (i32, i32) {
    %c0_i32 = arith.constant 0 : i32
    %c0_i32_0 = arith.constant 0 : i32
    %c0_i32_1 = arith.constant 0 : i32
    return %c0_i32, %c0_i32_0 : i32, i32
  }
  func.func @transform_5(%arg0: i32) -> (i32, i32) {
    %c0_i32 = arith.constant 0 : i32
    %c0_i32_0 = arith.constant 0 : i32
    %c0_i32_1 = arith.constant 0 : i32
    return %c0_i32, %c0_i32_0 : i32, i32
  }
  func.func @transform_6(%arg0: i32) -> (i32, i32) {
    %c0_i32 = arith.constant 0 : i32
    %c0_i32_0 = arith.constant 0 : i32
    %c0_i32_1 = arith.constant 0 : i32
    return %c0_i32, %c0_i32_0 : i32, i32
  }
  func.func @transform_7(%arg0: i32) -> (i32, i32) {
    %c0_i32 = arith.constant 0 : i32
    %c0_i32_0 = arith.constant 0 : i32
    %c0_i32_1 = arith.constant 0 : i32
    return %c0_i32, %c0_i32_0 : i32, i32
  }
  func.func @transform_8(%arg0: i32) -> (i32, i32) {
    %c0_i32 = arith.constant 0 : i32
    %c0_i32_0 = arith.constant 0 : i32
    %c0_i32_1 = arith.constant 0 : i32
    return %c0_i32, %c0_i32_0 : i32, i32
  }
  func.func @transform_9(%arg0: i32) -> (i32, i32) {
    %c0_i32 = arith.constant 0 : i32
    %c0_i32_0 = arith.constant 0 : i32
    %c0_i32_1 = arith.constant 0 : i32
    return %c0_i32, %c0_i32_0 : i32, i32
  }
  func.func @transform_10(%arg0: i32) -> (i32, i32) {
    %c0_i32 = arith.constant 0 : i32
    %c0_i32_0 = arith.constant 0 : i32
    %c0_i32_1 = arith.constant 0 : i32
    return %c0_i32, %c0_i32_0 : i32, i32
  }
  func.func @transform_11(%arg0: i32) -> (i32, i32) {
    %c0_i32 = arith.constant 0 : i32
    %c0_i32_0 = arith.constant 0 : i32
    %c0_i32_1 = arith.constant 0 : i32
    return %c0_i32, %c0_i32_0 : i32, i32
  }
  func.func @transform_12(%arg0: i32) -> (i32, i32) {
    %c0_i32 = arith.constant 0 : i32
    %c0_i32_0 = arith.constant 0 : i32
    %c0_i32_1 = arith.constant 0 : i32
    return %c0_i32, %c0_i32_0 : i32, i32
  }
  func.func @transform_13(%arg0: i32) -> (i32, i32) {
    %c0_i32 = arith.constant 0 : i32
    %c0_i32_0 = arith.constant 0 : i32
    %c0_i32_1 = arith.constant 0 : i32
    return %c0_i32, %c0_i32_0 : i32, i32
  }
  func.func @transform_14(%arg0: i32) -> (i32, i32) {
    %c0_i32 = arith.constant 0 : i32
    %c0_i32_0 = arith.constant 0 : i32
    return %arg0, %c0_i32 : i32, i32
  }
}

module attributes {stable_mosaic.version = 14 : i64} {
  func.func @_combine_kernel(%arg0: i32, %arg1: memref<1024x48xf32, #tpu.memory_space<vmem>>, %arg2: memref<2x1024x128xf32, #tpu.memory_space<vmem>>, %arg3: memref<1024x48xf32, #tpu.memory_space<vmem>>) attributes {dimension_semantics = [#tpu.dimension_semantics<arbitrary>], iteration_bounds = array<i64: 10>, scalar_prefetch = 0 : i64, scratch_operands = 0 : i64, tpu.core_type = #tpu.core_type<tc>, window_params = [{transform_indices = @transform_0, window_bounds = array<i64: 1024, 48>}, {transform_indices = @transform_1, window_bounds = array<i64: 2, 1024, 128>}, {transform_indices = @transform_2, window_bounds = array<i64: 1024, 48>}]} {
    %get3A = arith.constant 0 : index
    %get3A_0 = arith.constant 0 : index
    %get3A_1 = vector.load %arg1[%get3A, %get3A_0] : memref<1024x48xf32, #tpu.memory_space<vmem>>, vector<1024x48xf32>
    %get3A_2 = arith.constant 0 : index
    %get3A_3 = arith.constant 0 : index
    %get3A_4 = arith.constant 0 : index
    %get3A_5 = vector.load %arg2[%get3A_2, %get3A_3, %get3A_4] : memref<2x1024x128xf32, #tpu.memory_space<vmem>>, vector<1x1024x48xf32>
    %get3A_6 = vector.shape_cast %get3A_5 : vector<1x1024x48xf32> to vector<1024x48xf32>
    %add3A = arith.addf %get3A_1, %get3A_6 : vector<1024x48xf32>
    %get3A_7 = arith.constant 1 : index
    %get3A_8 = arith.constant 0 : index
    %get3A_9 = arith.constant 0 : index
    %get3A_10 = vector.load %arg2[%get3A_7, %get3A_8, %get3A_9] : memref<2x1024x128xf32, #tpu.memory_space<vmem>>, vector<1x1024x48xf32>
    %get3A_11 = vector.shape_cast %get3A_10 : vector<1x1024x48xf32> to vector<1024x48xf32>
    %add3A_12 = arith.addf %add3A, %get3A_11 : vector<1024x48xf32>
    %swap3A = arith.constant 0 : index
    %swap3A_13 = arith.constant 0 : index
    %swap3A_14 = vector.load %arg3[%swap3A, %swap3A_13] : memref<1024x48xf32, #tpu.memory_space<vmem>>, vector<1024x48xf32>
    tpu.vector_store %arg3[%swap3A, %swap3A_13], %add3A_12 {strides = array<i32>} : memref<1024x48xf32, #tpu.memory_space<vmem>>, vector<1024x48xf32>,
    return
  }
  func.func @transform_0(%arg0: i32) -> (i32, i32) {
    %c0_i32 = arith.constant 0 : i32
    %c0_i32_0 = arith.constant 0 : i32
    return %arg0, %c0_i32 : i32, i32
  }
  func.func @transform_1(%arg0: i32) -> (i32, i32, i32) {
    %c0_i32 = arith.constant 0 : i32
    %c0_i32_0 = arith.constant 0 : i32
    %c0_i32_1 = arith.constant 0 : i32
    return %c0_i32, %arg0, %c0_i32_0 : i32, i32, i32
  }
  func.func @transform_2(%arg0: i32) -> (i32, i32) {
    %c0_i32 = arith.constant 0 : i32
    %c0_i32_0 = arith.constant 0 : i32
    return %arg0, %c0_i32 : i32, i32
  }
}

</mosaic_0001>

<sc_bundles>
// kernel: kernel.12.cloned.1.call-start
scs
__scs_entry_jumppad:
0x0: {  	(pc) =	sbr.rel $0x88, $3  }
0x1: {  	(tag) =	ssettag $0x0;
	lr =	simm.s32 $0x1  }
0x2: {  	[smem:$0x3F8A] =	sst lr;
	_ =	strace $0xD0000000  }
0x3: {  	_ = 	snop  }
0x4: {  	_ = 	snop  }
0x5: {  	_ = 	snop  }
0x6: {  	_ = 	snop  }
0x7: {  	_ = 	snop  }
__scs_overlays_trampoline_lowered:
0x8: {  	[smem:$0x3F99] =	sst s0  }
0x9: {  	[smem:$0x3F9A] =	sst s1  }
0xa: {  	[smem:$0x3F9B] =	sst s2  }
0xb: {  	[smem:$0x3F9C] =	sst s3  }
0xc: {  	[smem:$0x3F9D] =	sst s4  }
0xd: {  	[smem:$0x3F9E] =	sst s5  }
0xe: {  	[smem:$0x3F9F] =	sst s6  }
0xf: {  	[smem:$0x3FA0] =	sst s7  }
0x10: {  	[smem:$0x3FA1] =	sst s8  }
0x11: {  	[smem:$0x3FA2] =	sst s9;
	s0 =	simm.s32 @!p0 $0x0  }
0x12: {  	s1 =	sld [smem:$0x3F88];
	s0 =	simm.s32 @p0 $0x1  }
0x13: {  	[smem:$0x3FA3] =	sst s0;
	s0 =	simm.s32 @!p1 $0x0  }
0x14: {  	s2 =	sld [smem:$0x3F87];
	s0 =	simm.s32 @p1 $0x1  }
0x15: {  	[smem:$0x3FA4] =	sst s0;
	s0 =	simm.s32 @!p2 $0x0  }
0x16: {  	s3 =	sld [smem:$0x3FDB];
	s0 =	simm.s32 @p2 $0x1  }
0x17: {  	s4 =	simm.s32 $0x1BF5;
	[smem:$0x3FA6] =	sst s0  }
0x18: {  	s0 =	sld [smem:$0x3F89];
	_ =	swait.ge [sflag:s4], $0x0  }
0x19: {  	s7 =	sld [smem:$0x3F8A]  }
0x1a: {  	s8 =	sadd.s32 $0xFFFFE003, lr  }
0x1b: {  	s9 =	sadd.s32 $0xFFFFFEF7, lr;
	s5 =	simm.s32 $0xFFFFFFFF;
	p2 =	slt.u32 s8, $0xFFFFF086  }
0x1c: {  	p1 =	slt.u32 s9, $0xF7A;
	s5 =	simm.s32 @!p2 $0x0  }
0x1d: {  	s5 =	simm.s32 @p1 $0x1;
	p0 =	seq.s32 s7, s2  }
0x1e: {  	s7 =	smul.u32 @!p0 $0xF7A, s2;
	p2 =	seq.s32 @!p0 s5, $0x0  }
0x1f: {  	s9 =	smul.u32 $0xF7A, s1;
	s8 =	simm.s32 @!p0 $0x1BF5;
	p2 =	por !p2, p0  }
0x20: {  	[sflag:s8] =	ssyncset.s32 @!p0 $0xFFFFF086;
	s6 =	sadd.s32 @!p0 s3, s7;
	s7 =	simm.s32 @!p0 $0x108  }
0x21: {  	s3 =	sadd.s32 s3, s9;
	s6 =	sadd.s32 @!p0 $0x88, s6;
	s7 =	simm.s32 @p2 $0x1082  }
0x22: {  	[simem:s7], [sflag:s8] =	dma.local @!p0 [hbm:s6], $0xF7A  }
0x23: {  	s9 =	sor.u32 $0xD0000000, s2;
	s6 =	simm.s32 $0x108;
	_ =	swait.ge @!p0 [sflag:s8], $0x0  }
0x24: {  	s3 =	sadd.s32 $0x88, s3;
	s6 =	simm.s32 @!p1 $0x1082;
	[sflag:s4] =	ssyncset.s32 $0xFFFFF086  }
0x25: {  	[simem:s6], [sflag:s4] =	dma.local [hbm:s3], $0xF7A  }
0x26: {  	[smem:$0x3F8A] =	sst s1;
	(tag) =	ssettag s2;
	_ =	strace s9  }
0x27: {  	s1 =	sld [smem:$0x3F9A]  }
0x28: {  	s2 =	sld [smem:$0x3F9B]  }
0x29: {  	s4 =	sld [smem:$0x3F9D]  }
0x2a: {  	p0 =	seq.s32 s5, $0x0;
	s5 =	sld [smem:$0x3F9E]  }
0x2b: {  	s6 =	sld [smem:$0x3F9F]  }
0x2c: {  	s7 =	sld [smem:$0x3FA0]  }
0x2d: {  	s3 =	simm.s32 $0x108;
	s8 =	sld [smem:$0x3FA1]  }
0x2e: {  	s3 =	simm.s32 @!p0 $0x1082;
	s9 =	sld [smem:$0x3FA2]  }
0x2f: {  	lr =	sadd.s32 s0, s3;
	s0 =	sld [smem:$0x3F99]  }
0x30: {  	s3 =	sld [smem:$0x3F9C]  }
0x31: {  	[smem:$0x3FA5] =	sst s10  }
0x32: {  	s10 =	sld [smem:$0x3FA3];
	_ =	sdelay $0x3  }
0x33: {  	p0 =	seq.s32 s10, $0x1;
	s10 =	sld [smem:$0x3FA5];
	_ =	sdelay $0x3  }
0x34: {  	[smem:$0x3FA5] =	sst s10  }
0x35: {  	s10 =	sld [smem:$0x3FA4];
	_ =	sdelay $0x3  }
0x36: {  	p1 =	seq.s32 s10, $0x1;
	s10 =	sld [smem:$0x3FA5];
	_ =	sdelay $0x3  }
0x37: {  	[smem:$0x3FA5] =	sst s10  }
0x38: {  	s10 =	sld [smem:$0x3FA6]  }
0x39: {  	_ = 	snop;
	(pc) =	sbr.ind lr, $3  }
0x3a: {  	_ = 	snop  }
0x3b: {  	_ = 	snop  }
0x3c: {  	p2 =	seq.s32 s10, $0x1;
	s10 =	sld [smem:$0x3FA5]  }
0x3d: {  	_ =	shalt  }
0x3e: {  	_ =	shalt  }
0x3f: {  	_ =	shalt  }
0x40: {  	_ =	shalt  }
0x41: {  	_ =	shalt  }
0x42: {  	_ =	shalt  }
0x43: {  	_ =	shalt  }
0x44: {  	_ =	shalt  }
0x45: {  	_ =	shalt  }
0x46: {  	_ =	shalt  }
0x47: {  	_ =	shalt  }
0x48: {  	_ =	shalt  }
0x49: {  	_ =	shalt  }
0x4a: {  	_ =	shalt  }
0x4b: {  	_ =	shalt  }
0x4c: {  	_ =	shalt  }
0x4d: {  	_ =	shalt  }
0x4e: {  	_ =	shalt  }
0x4f: {  	_ =	shalt  }
0x50: {  	_ =	shalt  }
0x51: {  	_ =	shalt  }
0x52: {  	_ =	shalt  }
0x53: {  	_ =	shalt  }
0x54: {  	_ =	shalt  }
0x55: {  	_ =	shalt  }
0x56: {  	_ =	shalt  }
0x57: {  	_ =	shalt  }
0x58: {  	_ =	shalt  }
0x59: {  	_ =	shalt  }
0x5a: {  	_ =	shalt  }
0x5b: {  	_ =	shalt  }
0x5c: {  	_ =	shalt  }
0x5d: {  	_ =	shalt  }
0x5e: {  	_ =	shalt  }
0x5f: {  	_ =	shalt  }
0x60: {  	_ =	shalt  }
0x61: {  	_ =	shalt  }
0x62: {  	_ =	shalt  }
0x63: {  	_ =	shalt  }
0x64: {  	_ =	shalt  }
0x65: {  	_ =	shalt  }
0x66: {  	_ =	shalt  }
0x67: {  	_ =	shalt  }
0x68: {  	_ =	shalt  }
0x69: {  	_ =	shalt  }
0x6a: {  	_ =	shalt  }
0x6b: {  	_ =	shalt  }
0x6c: {  	_ =	shalt  }
0x6d: {  	_ =	shalt  }
0x6e: {  	_ =	shalt  }
0x6f: {  	_ =	shalt  }
0x70: {  	_ =	shalt  }
0x71: {  	_ =	shalt  }
0x72: {  	_ =	shalt  }
0x73: {  	_ =	shalt  }
0x74: {  	_ =	shalt  }
0x75: {  	_ =	shalt  }
0x76: {  	_ =	shalt  }
0x77: {  	_ =	shalt  }
0x78: {  	_ =	shalt  }
0x79: {  	_ =	shalt  }
0x7a: {  	_ =	shalt  }
0x7b: {  	_ =	shalt  }
0x7c: {  	_ =	shalt  }
0x7d: {  	_ =	shalt  }
0x7e: {  	_ =	shalt  }
0x7f: {  	_ =	shalt  }
0x80: {  	_ =	shalt  }
0x81: {  	_ =	shalt  }
0x82: {  	_ =	shalt  }
0x83: {  	_ =	shalt  }
0x84: {  	_ =	shalt  }
0x85: {  	_ =	shalt  }
0x86: {  	_ =	shalt  }
0x87: {  	_ =	shalt  }
.Lfunc_end0:
.L_simem_size_0:
called_computation.1_lowered:
.L_overlay_start_0:
0x88: {  	s2 =	sld [smem:$0x3FD9]  }
0x89: {  	s3 =	sld [smem:$0x3FFE];
	_ =	sdelay $0x1  }
0x8a: {  	s1 =	srdreg.scid  }
0x8b: {  	s0 =	sand.u32 $0x1, s1  }
0x8c: {  	s16 =	sshll.u32 s0, $0xA;
	s2 =	sadd.s32 s3, s2  }
0x8d: {  	s2 =	sadd.s32 s2, s16  }
0x8e: {  	[smem:$0x3FB1] =	sst s2  }
0x8f: {  	_ = 	snop  }
0x90: {  	(tm) =	ssettm $0x1  }
0x91: {  	s17 =	sld [smem:$0x3FFB];
	_ =	sdelay $0x3  }
0x92: {  	_ =	strace s17  }
0x93: {  	s2 =	sld [smem:$0x3FFC];
	_ =	sdelay $0x3  }
0x94: {  	_ =	strace s2  }
0x95: {  	s2 =	sld [smem:$0x3FFD];
	_ =	sdelay $0x3  }
0x96: {  	_ =	strace s2  }
0x97: {  	_ =	strace $0x8FFFFFFF  }
0x98: {  	s18 =	sld [smem:$0x3FDB];
	_ =	sdelay $0x1  }
0x99: {  	s19 =	simm.s32 $_scs_section_size  }
0x9a: {  	s4 =	simm.s32 $_size__tile_overlayer_lowered;
	s5 =	simm.s32 $_tile_overlayer_lowered  }
0x9b: {  	s22 =	simm.s32 $0x1BFF;
	s21 =	sshll.u32 s5, $0x1;
	s2 =	sadd.s32 s19, s18  }
0x9c: {  	s6 =	simm.s32 $0x0;
	s20 =	sshll.u32 s4, $0x1;
	s4 =	sadd.s32 s21, s2  }
0x9d: {  	[timem:s6], [sflag:s22] =	dma.local [hbm:s4], s20  }
0x9e: {  	_ =	swait.ge [sflag:s22], s20  }
0x9f: {  	s3 =	ssub.s32 $0x0, s20;
	[sflag:s22] =	ssyncset.done $0x0  }
0xa0: {  	[sflag:s22] =	ssyncadd.s32 s3;
	_ =	sdelay $0x1  }
0xa1: {  	s23 =	simm.s32 $0x1B8B  }
0xa2: {  	_ =	swait.ge [sflag:s23], $0x1  }
0xa3: {  	[sflag:s23] =	ssyncset.done $0x0  }
0xa4: {  	s25 =	simm.s32 $0x1B8E;
	s24 =	sld [smem:$0x3FFE];
	[sflag:s23] =	ssyncadd.s32 $0xFFFFFFFF  }
0xa5: {  	s26 =	simm.s32 $execute0_lowered;
	[smem:$0x3FD2] =	sst s25  }
0xa6: {  	s4 =	sshll.u32 s26, $0x1;
	_ =	strace $0x80000049;
	[dreg:$0x1] =	wrdreg $0xFFFFFFFF  }
0xa7: {  	s28 =	simm.s32 $_size_execute0_lowered;
	s2 =	sadd.s32 s2, s4;
	[dreg:$0x0] =	wrdreg $0x0  }
0xa8: {  	s4 =	sshll.u32 s28, $0x1;
	[dreg:$0x2] =	wrdreg s2  }
0xa9: {  	[dreg:$0x3] =	wrdreg s4  }
0xaa: {  	[dreg:$0x4] =	wrdreg $0xC0  }
0xab: {  	_ =	task [dreg:s6], $0x5FFFF  }
0xac: {  	[dreg:$0x1] =	wrdreg $0xFFFFFFFF  }
0xad: {  	[dreg:$0x0] =	wrdreg $0x60  }
0xae: {  	[dreg:$0x2] =	wrdreg s24  }
0xaf: {  	[dreg:$0x3] =	wrdreg $0xA8000  }
0xb0: {  	[dreg:$0x4] =	wrdreg $0x9  }
0xb1: {  	_ =	task.clear_ibuf [dreg:s6], $0x5FFFF;
	_ =	strace $0x90000049  }
0xb2: {  	s29 =	simm.s32 $0x9;
	_ =	strace $0x8000004B  }
0xb3: {  	_ =	swait.ge [sflag:s29], $0x1  }
0xb4: {  	[sflag:s29] =	ssyncadd.s32 $0xFFFFFFFF  }
0xb5: {  	_ =	strace $0x9000004B  }
0xb6: {  	_ =	sfence  }
0xb7: {  	s30 =	sld [smem:$0x0];
	_ =	sdelay $0x2  }
0xb8: {  	s31 =	sshll.u32 s1, $0xD;
	s1 =	sshrl.u32 s1, $0x2  }
0xb9: {  	s3 =	sand.u32 $0x4000, s31;
	s1 =	sadd.s32 s1, s30  }
0xba: {  	s0 =	sor.u32 s3, s0;
	s1 =	sshll.u32 s1, $0x11  }
0xbb: {  	s0 =	sor.u32 s1, s0  }
0xbc: {  	s0 =	sadd.s32 $0x8F2B, s0  }
0xbd: {  	[sflag:s0] =	ssyncadd.remote.s32 $0x1  }
0xbe: {  	_ =	sfence.sel $0xFFFF  }
0xbf: {  	[dreg:$0x0] =	wrdreg $0xFFFFFFFF;
	(pc) =	sbr.abs _section_cstart, $3  }
0xc0: {  	[dreg:$0x1] =	wrdreg $0xFFFFFFFF  }
0xc1: {  	_ =	task.clear_ibuf [dreg:s6], $0x2FFFF;
	_ =	strace $0x9FFFFFFF  }
0xc2: {  	(tm) =	ssettm $0x7FFFFFFF  }
0xc3: {  	_ =	shalt  }
tec
execute0_lowered:
.L_overlay_start_1:
0x0: {  	(tag) =	ssettag $0x1  }
0x1: {  	s4 =	rddreg [dreg:$0x0]  }
0x2: {  	s1 =	rddreg [dreg:$0x1]  }
0x3: {  	s0 =	rddreg [dreg:$0x2];
	s13 =	stileid.u32  }
0x4: {  	s3 =	srdreg.scid;
	s2 =	simm.s32 $0x0;
	s11 =	simm.s32 $0x28  }
0x5: {  	s12 =	simm.s32 $0x9400;
	s15 =	simm.s32 $0x0;
	s5 =	smul.u32 $0x4E200, s13  }
0x6: {  	s6 =	sand.u32 $0x1, s3;
	[smem:$0x7FF] =	sst s2;
	s9 =	smul.u32 $0x14000, s13  }
0x7: {  	s25 =	sshll.u32 s13, $0xD;
	s29 =	smul.u32 $0x50000, s13;
	p0 =	sne.s32 s13, $0x0  }
0x8: {  	s13 =	sshll.u32 s13, $0x6;
	s7 =	smul.u32 $0x140000, s6;
	s8 =	sshll.u32 s6, $0xC  }
0x9: {  	_ =	strace $0x8000004A;
	s28 =	ssub.s32 $0x2, s6;
	s6 =	smul.u32 $0x27100, s6  }
0xa: {  	s13 =	sor.u32 $0x1C01, s13;
	s10 =	sadd.s32 s5, s4;
	s3 =	sor.u32 s8, s25  }
0xb: {  	s30 =	sshrl.u32 s28, $0x1;
	s26 =	sadd.s32 s3, s4;
	s3 =	sadd.s32 $0x4800, s4  }
0xc: {  	s7 =	sadd.s32 s9, s7;
	s8 =	ssub.s32 s28, s30;
	s9 =	sshrl.u32 s29, $0x2  }
0xd: {  	s31 =	sadd.s32 s6, s10;
	s10 =	simm.s32 $0x8000;
	s7 =	sshrl.u32 s7, $0x3  }
0xe: {  	s14 =	sadd.s32 s9, s1;
	s6 =	smax.u32 s8, $0x1;
	s8 =	simm.s32 $0x1  }
0xf: {  	s9 =	sshrl.u32 @!p0 s1, $0x3;
	s7 =	sadd.s32 s7, s4;
	s4 =	sadd.s32 $0x74800, s26  }
0x10: {  	s14 =	sshrl.u32 s14, $0x3;
	s5 =	sadd.s32 $0xBC800, s7;
	s7 =	sadd.s32 $0xA80800, s31  }
.LBB2_1:
0x11: {  	[tilespmem:s2], [sflag:$0x1] =	stream.linear.gather [hbm4b:s4+s2], $0x7D00, $0x38;
	[tilespmem:$0x1E800] =	vst v63  }
0x12: {  	_ =	swait.ge [sflag:s8], $0x7D00  }
0x13: {  	[sflag:s8] =	ssyncset.done $0x0  }
0x14: {  	s16 =	simm.s32 @!p0 $0x1C01;
	[sflag:s8] =	ssyncadd.s32 $0xFFFF8300  }
0x15: {  	[spmem:s9], [sflag:s16] =	dma.local @!p0 [hbm:s3], $0x28000  }
0x16: {  	s16 =	simm.s32 @!p0 $0x1  }
0x17: {  	_ =	swait.ge @!p0 [sflag:s16], $0x28000  }
0x18: {  	[sflag:s16] =	ssyncset.done @!p0 $0x0  }
0x19: {  	[sflag:s16] =	ssyncadd.s32 @!p0 $0xFFFD8000  }
0x1a: {  	s29 =	sadd.s32 $0x0, s7;
	[bflag:$0x0] =	sbarrier.arrive $0xFFFF  }
0x1b: {  	[tilespmem:s10], [sflag:$0x1] =	stream.linear.gather [hbm4b:s29+s2], $0x2800, $0x38;
	[tilespmem:$0x1E800] =	vst v63  }
0x1c: {  	_ =	swait.ge [sflag:s8], $0x2800  }
0x1d: {  	[sflag:s8] =	ssyncset.done $0x0  }
0x1e: {  	s30 =	simm.s32 $0x0;
	[sflag:s8] =	ssyncadd.s32 $0xFFFFD800  }
0x1f: {  	[spmem:s1] =	stream.indirect.scatter.add.f32 [tilespmem:s10], [sflag:$0x1], $0x80, s30, s11, $0xb8;
	[tilespmem:$0x1E800] =	vst v63  }
0x20: {  	_ =	swait.ge [sflag:s8], $0x1400  }
0x21: {  	[sflag:s8] =	ssyncset.done $0x0  }
0x22: {  	s31 =	simm.s32 $0x80;
	[sflag:s8] =	ssyncadd.s32 $0xFFFFEC00  }
0x23: {  	[spmem:s1] =	stream.indirect.scatter.add.f32 [tilespmem:s12], [sflag:$0x1], $0x80, s31, s11, $0xb8;
	[tilespmem:$0x1E800] =	vst v63  }
0x24: {  	s17 =	simm.s32 $0x500;
	_ =	swait.ge [sflag:s8], $0x1400  }
0x25: {  	s18 =	simm.s32 $0xA00;
	s16 =	simm.s32 $0x180;
	[sflag:s8] =	ssyncset.done $0x0  }
.LBB2_2:
0x26: {  	s19 =	sadd.s32 s17, s7  }
0x27: {  	[sflag:s8] =	ssyncadd.s32 $0xFFFFEC00;
	s17 =	smov.u32 s18;
	s20 =	sadd.s32 $0x500, s18  }
0x28: {  	[tilespmem:s10], [sflag:$0x1] =	stream.linear.gather [hbm4b:s19+s2], $0x2800, $0x38;
	[tilespmem:$0x1E800] =	vst v63  }
0x29: {  	p1 =	sne.s32 s18, $0x26C00;
	_ =	swait.ge [sflag:s8], $0x2800  }
0x2a: {  	[sflag:s8] =	ssyncset.done $0x0  }
0x2b: {  	s18 =	sadd.s32 $0xFFFFFF80, s16;
	[sflag:s8] =	ssyncadd.s32 $0xFFFFD800  }
0x2c: {  	[spmem:s1] =	stream.indirect.scatter.add.f32 [tilespmem:s10], [sflag:$0x1], $0x80, s18, s11, $0xb8;
	[tilespmem:$0x1E800] =	vst v63  }
0x2d: {  	_ =	swait.ge [sflag:s8], $0x1400  }
.Ltmp0:
0x2e: {  	[sflag:s8] =	ssyncset.done $0x0;
	(pc) =	sbr.rel @p1 .LBB2_2-.Ltmp0, $4  }
0x2f: {  	[sflag:s8] =	ssyncadd.s32 $0xFFFFEC00  }
0x30: {  	[spmem:s1] =	stream.indirect.scatter.add.f32 [tilespmem:s12], [sflag:$0x1], $0x80, s16, s11, $0xb8;
	[tilespmem:$0x1E800] =	vst v63  }
0x31: {  	_ =	swait.ge [sflag:s8], $0x1400  }
0x32: {  	s18 =	smov.u32 s20;
	s16 =	sadd.s32 $0x100, s16;
	[sflag:s8] =	ssyncset.done $0x0  }
0x33: {  	s17 =	sadd.s32 s17, s7;
	[sflag:s8] =	ssyncadd.s32 $0xFFFFEC00  }
0x34: {  	[tilespmem:s10], [sflag:$0x1] =	stream.linear.gather [hbm4b:s17+s2], $0x2800, $0x38;
	[tilespmem:$0x1E800] =	vst v63  }
0x35: {  	_ =	swait.ge [sflag:s8], $0x2800  }
0x36: {  	[sflag:s8] =	ssyncset.done $0x0  }
0x37: {  	s31 =	sadd.s32 $0xFFFFFF80, s16;
	[sflag:s8] =	ssyncadd.s32 $0xFFFFD800  }
0x38: {  	[spmem:s1] =	stream.indirect.scatter.add.f32 [tilespmem:s10], [sflag:$0x1], $0x80, s31, s11, $0xb8;
	[tilespmem:$0x1E800] =	vst v63  }
0x39: {  	_ =	swait.ge [sflag:s8], $0x1400  }
0x3a: {  	[sflag:s8] =	ssyncset.done $0x0  }
0x3b: {  	[sflag:s8] =	ssyncadd.s32 $0xFFFFEC00  }
0x3c: {  	[spmem:s1] =	stream.indirect.scatter.add.f32 [tilespmem:s12], [sflag:$0x1], $0x80, s16, s11, $0xb8;
	[tilespmem:$0x1E800] =	vst v63  }
0x3d: {  	_ =	swait.ge [sflag:s8], $0x1400  }
0x3e: {  	s15 =	sadd.s32 $0x1, s15;
	[sflag:s8] =	ssyncset.done $0x0  }
0x3f: {  	p1 =	sne.s32 s15, s6;
	[sflag:s8] =	ssyncadd.s32 $0xFFFFEC00  }
.Ltmp1:
0x40: {  	[bflag:$0x0] =	sbarrier.arrive $0xFFFF;
	(pc) =	sbr.rel @p1 .LBB2_1-.Ltmp1, $4  }
0x41: {  	[hbm:s5], [sflag:s13] =	dma.local [spmem:s14], $0x2800  }
0x42: {  	_ =	swait.ge [sflag:s8], $0x2800  }
0x43: {  	[sflag:s8] =	ssyncset.done $0x0  }
0x44: {  	[sflag:s8] =	ssyncadd.s32 $0xFFFFD800  }
0x45: {  	_ =	sfence.sel $0x180000  }
0x46: {  	[bflag:$0x0] =	sbarrier.arrive $0xFFFF  }
0x47: {  	_ =	strace $0x9000004A  }
0x48: {  	s0 =	sadd.s32 @!p0 $0x100000, s0;
	[bflag:$0x2] =	sbarrier.arrive $0xFFFF  }
0x49: {  	[sflag:s0] =	ssyncadd.tile.s32 @!p0 $0x1;
	_ =	shalt  }
.Lfunc_end2:
_tile_overlayer_lowered:
.L_overlay_start_2:
0x4a: {  	(tag) =	ssettag $0x2  }
0x4b: {  	s0 =	rddreg [dreg:$0x0];
	s2 =	stileid.u32  }
0x4c: {  	s1 =	rddreg [dreg:$0x1];
	p0 =	sne.s32 s2, $0x0  }
0x4d: {  	s3 =	rddreg [dreg:$0x2];
	[bflag:$0x3] =	sbarrier.arrive $0xFFFF;
	s2 =	simm.s32 @!p0 $0x1C01  }
0x4e: {  	[timem:s3], [sflag:s2] =	dma.local @!p0 [hbm:s0], s1  }
0x4f: {  	s0 =	simm.s32 @!p0 $0x1  }
0x50: {  	_ =	swait.ge @!p0 [sflag:s0], s1  }
0x51: {  	s1 =	ssub.s32 @!p0 $0x0, s1;
	[sflag:s0] =	ssyncset.done @!p0 $0x0  }
0x52: {  	[sflag:s0] =	ssyncadd.s32 @!p0 s1  }
0x53: {  	[bflag:$0x3] =	sbarrier.arrive $0xFFFF  }
0x54: {  	_ =	shalt  }

// kernel: kernel.9.cloned.1.call-start
scs
__scs_entry_jumppad:
0x0: {  	(pc) =	sbr.rel $0x88, $3  }
0x1: {  	(tag) =	ssettag $0x0;
	lr =	simm.s32 $0x1  }
0x2: {  	[smem:$0x3F8A] =	sst lr;
	_ =	strace $0xD0000000  }
0x3: {  	_ = 	snop  }
0x4: {  	_ = 	snop  }
0x5: {  	_ = 	snop  }
0x6: {  	_ = 	snop  }
0x7: {  	_ = 	snop  }
__scs_overlays_trampoline_lowered:
0x8: {  	[smem:$0x3F99] =	sst s0  }
0x9: {  	[smem:$0x3F9A] =	sst s1  }
0xa: {  	[smem:$0x3F9B] =	sst s2  }
0xb: {  	[smem:$0x3F9C] =	sst s3  }
0xc: {  	[smem:$0x3F9D] =	sst s4  }
0xd: {  	[smem:$0x3F9E] =	sst s5  }
0xe: {  	[smem:$0x3F9F] =	sst s6  }
0xf: {  	[smem:$0x3FA0] =	sst s7  }
0x10: {  	[smem:$0x3FA1] =	sst s8  }
0x11: {  	[smem:$0x3FA2] =	sst s9;
	s0 =	simm.s32 @!p0 $0x0  }
0x12: {  	s1 =	sld [smem:$0x3F88];
	s0 =	simm.s32 @p0 $0x1  }
0x13: {  	[smem:$0x3FA3] =	sst s0;
	s0 =	simm.s32 @!p1 $0x0  }
0x14: {  	s2 =	sld [smem:$0x3F87];
	s0 =	simm.s32 @p1 $0x1  }
0x15: {  	[smem:$0x3FA4] =	sst s0;
	s0 =	simm.s32 @!p2 $0x0  }
0x16: {  	s3 =	sld [smem:$0x3FDB];
	s0 =	simm.s32 @p2 $0x1  }
0x17: {  	s4 =	simm.s32 $0x1BF5;
	[smem:$0x3FA6] =	sst s0  }
0x18: {  	s0 =	sld [smem:$0x3F89];
	_ =	swait.ge [sflag:s4], $0x0  }
0x19: {  	s7 =	sld [smem:$0x3F8A]  }
0x1a: {  	s8 =	sadd.s32 $0xFFFFE003, lr  }
0x1b: {  	s9 =	sadd.s32 $0xFFFFFEF7, lr;
	s5 =	simm.s32 $0xFFFFFFFF;
	p2 =	slt.u32 s8, $0xFFFFF086  }
0x1c: {  	p1 =	slt.u32 s9, $0xF7A;
	s5 =	simm.s32 @!p2 $0x0  }
0x1d: {  	s5 =	simm.s32 @p1 $0x1;
	p0 =	seq.s32 s7, s2  }
0x1e: {  	s7 =	smul.u32 @!p0 $0xF7A, s2;
	p2 =	seq.s32 @!p0 s5, $0x0  }
0x1f: {  	s9 =	smul.u32 $0xF7A, s1;
	s8 =	simm.s32 @!p0 $0x1BF5;
	p2 =	por !p2, p0  }
0x20: {  	[sflag:s8] =	ssyncset.s32 @!p0 $0xFFFFF086;
	s6 =	sadd.s32 @!p0 s3, s7;
	s7 =	simm.s32 @!p0 $0x108  }
0x21: {  	s3 =	sadd.s32 s3, s9;
	s6 =	sadd.s32 @!p0 $0x88, s6;
	s7 =	simm.s32 @p2 $0x1082  }
0x22: {  	[simem:s7], [sflag:s8] =	dma.local @!p0 [hbm:s6], $0xF7A  }
0x23: {  	s9 =	sor.u32 $0xD0000000, s2;
	s6 =	simm.s32 $0x108;
	_ =	swait.ge @!p0 [sflag:s8], $0x0  }
0x24: {  	s3 =	sadd.s32 $0x88, s3;
	s6 =	simm.s32 @!p1 $0x1082;
	[sflag:s4] =	ssyncset.s32 $0xFFFFF086  }
0x25: {  	[simem:s6], [sflag:s4] =	dma.local [hbm:s3], $0xF7A  }
0x26: {  	[smem:$0x3F8A] =	sst s1;
	(tag) =	ssettag s2;
	_ =	strace s9  }
0x27: {  	s1 =	sld [smem:$0x3F9A]  }
0x28: {  	s2 =	sld [smem:$0x3F9B]  }
0x29: {  	s4 =	sld [smem:$0x3F9D]  }
0x2a: {  	p0 =	seq.s32 s5, $0x0;
	s5 =	sld [smem:$0x3F9E]  }
0x2b: {  	s6 =	sld [smem:$0x3F9F]  }
0x2c: {  	s7 =	sld [smem:$0x3FA0]  }
0x2d: {  	s3 =	simm.s32 $0x108;
	s8 =	sld [smem:$0x3FA1]  }
0x2e: {  	s3 =	simm.s32 @!p0 $0x1082;
	s9 =	sld [smem:$0x3FA2]  }
0x2f: {  	lr =	sadd.s32 s0, s3;
	s0 =	sld [smem:$0x3F99]  }
0x30: {  	s3 =	sld [smem:$0x3F9C]  }
0x31: {  	[smem:$0x3FA5] =	sst s10  }
0x32: {  	s10 =	sld [smem:$0x3FA3];
	_ =	sdelay $0x3  }
0x33: {  	p0 =	seq.s32 s10, $0x1;
	s10 =	sld [smem:$0x3FA5];
	_ =	sdelay $0x3  }
0x34: {  	[smem:$0x3FA5] =	sst s10  }
0x35: {  	s10 =	sld [smem:$0x3FA4];
	_ =	sdelay $0x3  }
0x36: {  	p1 =	seq.s32 s10, $0x1;
	s10 =	sld [smem:$0x3FA5];
	_ =	sdelay $0x3  }
0x37: {  	[smem:$0x3FA5] =	sst s10  }
0x38: {  	s10 =	sld [smem:$0x3FA6]  }
0x39: {  	_ = 	snop;
	(pc) =	sbr.ind lr, $3  }
0x3a: {  	_ = 	snop  }
0x3b: {  	_ = 	snop  }
0x3c: {  	p2 =	seq.s32 s10, $0x1;
	s10 =	sld [smem:$0x3FA5]  }
0x3d: {  	_ =	shalt  }
0x3e: {  	_ =	shalt  }
0x3f: {  	_ =	shalt  }
0x40: {  	_ =	shalt  }
0x41: {  	_ =	shalt  }
0x42: {  	_ =	shalt  }
0x43: {  	_ =	shalt  }
0x44: {  	_ =	shalt  }
0x45: {  	_ =	shalt  }
0x46: {  	_ =	shalt  }
0x47: {  	_ =	shalt  }
0x48: {  	_ =	shalt  }
0x49: {  	_ =	shalt  }
0x4a: {  	_ =	shalt  }
0x4b: {  	_ =	shalt  }
0x4c: {  	_ =	shalt  }
0x4d: {  	_ =	shalt  }
0x4e: {  	_ =	shalt  }
0x4f: {  	_ =	shalt  }
0x50: {  	_ =	shalt  }
0x51: {  	_ =	shalt  }
0x52: {  	_ =	shalt  }
0x53: {  	_ =	shalt  }
0x54: {  	_ =	shalt  }
0x55: {  	_ =	shalt  }
0x56: {  	_ =	shalt  }
0x57: {  	_ =	shalt  }
0x58: {  	_ =	shalt  }
0x59: {  	_ =	shalt  }
0x5a: {  	_ =	shalt  }
0x5b: {  	_ =	shalt  }
0x5c: {  	_ =	shalt  }
0x5d: {  	_ =	shalt  }
0x5e: {  	_ =	shalt  }
0x5f: {  	_ =	shalt  }
0x60: {  	_ =	shalt  }
0x61: {  	_ =	shalt  }
0x62: {  	_ =	shalt  }
0x63: {  	_ =	shalt  }
0x64: {  	_ =	shalt  }
0x65: {  	_ =	shalt  }
0x66: {  	_ =	shalt  }
0x67: {  	_ =	shalt  }
0x68: {  	_ =	shalt  }
0x69: {  	_ =	shalt  }
0x6a: {  	_ =	shalt  }
0x6b: {  	_ =	shalt  }
0x6c: {  	_ =	shalt  }
0x6d: {  	_ =	shalt  }
0x6e: {  	_ =	shalt  }
0x6f: {  	_ =	shalt  }
0x70: {  	_ =	shalt  }
0x71: {  	_ =	shalt  }
0x72: {  	_ =	shalt  }
0x73: {  	_ =	shalt  }
0x74: {  	_ =	shalt  }
0x75: {  	_ =	shalt  }
0x76: {  	_ =	shalt  }
0x77: {  	_ =	shalt  }
0x78: {  	_ =	shalt  }
0x79: {  	_ =	shalt  }
0x7a: {  	_ =	shalt  }
0x7b: {  	_ =	shalt  }
0x7c: {  	_ =	shalt  }
0x7d: {  	_ =	shalt  }
0x7e: {  	_ =	shalt  }
0x7f: {  	_ =	shalt  }
0x80: {  	_ =	shalt  }
0x81: {  	_ =	shalt  }
0x82: {  	_ =	shalt  }
0x83: {  	_ =	shalt  }
0x84: {  	_ =	shalt  }
0x85: {  	_ =	shalt  }
0x86: {  	_ =	shalt  }
0x87: {  	_ =	shalt  }
.Lfunc_end0:
.L_simem_size_0:
called_computation_lowered:
.L_overlay_start_0:
0x88: {  	s2 =	sld [smem:$0x3FD9]  }
0x89: {  	s3 =	sld [smem:$0x3FFE];
	_ =	sdelay $0x1  }
0x8a: {  	s1 =	srdreg.scid  }
0x8b: {  	s0 =	sand.u32 $0x1, s1  }
0x8c: {  	s16 =	sshll.u32 s0, $0xA;
	s2 =	sadd.s32 s3, s2  }
0x8d: {  	s2 =	sadd.s32 s2, s16  }
0x8e: {  	[smem:$0x3FB1] =	sst s2  }
0x8f: {  	_ = 	snop  }
0x90: {  	(tm) =	ssettm $0x1  }
0x91: {  	s17 =	sld [smem:$0x3FFB];
	_ =	sdelay $0x3  }
0x92: {  	_ =	strace s17  }
0x93: {  	s2 =	sld [smem:$0x3FFC];
	_ =	sdelay $0x3  }
0x94: {  	_ =	strace s2  }
0x95: {  	s2 =	sld [smem:$0x3FFD];
	_ =	sdelay $0x3  }
0x96: {  	_ =	strace s2  }
0x97: {  	_ =	strace $0x8FFFFFFF  }
0x98: {  	s18 =	sld [smem:$0x3FDB];
	_ =	sdelay $0x1  }
0x99: {  	s19 =	simm.s32 $_scs_section_size  }
0x9a: {  	s4 =	simm.s32 $_size__tile_overlayer_lowered;
	s5 =	simm.s32 $_tile_overlayer_lowered  }
0x9b: {  	s22 =	simm.s32 $0x1BFF;
	s21 =	sshll.u32 s5, $0x1;
	s2 =	sadd.s32 s19, s18  }
0x9c: {  	s6 =	simm.s32 $0x0;
	s20 =	sshll.u32 s4, $0x1;
	s4 =	sadd.s32 s21, s2  }
0x9d: {  	[timem:s6], [sflag:s22] =	dma.local [hbm:s4], s20  }
0x9e: {  	_ =	swait.ge [sflag:s22], s20  }
0x9f: {  	s3 =	ssub.s32 $0x0, s20;
	[sflag:s22] =	ssyncset.done $0x0  }
0xa0: {  	[sflag:s22] =	ssyncadd.s32 s3;
	_ =	sdelay $0x1  }
0xa1: {  	s23 =	simm.s32 $0x1B8B  }
0xa2: {  	_ =	swait.ge [sflag:s23], $0x1  }
0xa3: {  	[sflag:s23] =	ssyncset.done $0x0  }
0xa4: {  	s25 =	simm.s32 $0x1B8E;
	s24 =	sld [smem:$0x3FFE];
	[sflag:s23] =	ssyncadd.s32 $0xFFFFFFFF  }
0xa5: {  	s26 =	simm.s32 $execute0_lowered;
	[smem:$0x3FD2] =	sst s25  }
0xa6: {  	s4 =	sshll.u32 s26, $0x1;
	_ =	strace $0x80000046;
	[dreg:$0x1] =	wrdreg $0xFFFFFFFF  }
0xa7: {  	s28 =	simm.s32 $_size_execute0_lowered;
	s2 =	sadd.s32 s2, s4;
	[dreg:$0x0] =	wrdreg $0x0  }
0xa8: {  	s4 =	sshll.u32 s28, $0x1;
	[dreg:$0x2] =	wrdreg s2  }
0xa9: {  	[dreg:$0x3] =	wrdreg s4  }
0xaa: {  	[dreg:$0x4] =	wrdreg $0xC0  }
0xab: {  	_ =	task [dreg:s6], $0x5FFFF  }
0xac: {  	[dreg:$0x1] =	wrdreg $0xFFFFFFFF  }
0xad: {  	[dreg:$0x0] =	wrdreg $0x60  }
0xae: {  	[dreg:$0x2] =	wrdreg s24  }
0xaf: {  	[dreg:$0x3] =	wrdreg $0x9  }
0xb0: {  	_ =	task.clear_ibuf [dreg:s6], $0x4FFFF;
	_ =	strace $0x90000046  }
0xb1: {  	s29 =	simm.s32 $0x9;
	_ =	strace $0x80000048  }
0xb2: {  	_ =	swait.ge [sflag:s29], $0x1  }
0xb3: {  	[sflag:s29] =	ssyncadd.s32 $0xFFFFFFFF  }
0xb4: {  	_ =	strace $0x90000048  }
0xb5: {  	_ =	sfence  }
0xb6: {  	s30 =	sld [smem:$0x0];
	_ =	sdelay $0x2  }
0xb7: {  	s31 =	sshll.u32 s1, $0xD;
	s1 =	sshrl.u32 s1, $0x2  }
0xb8: {  	s3 =	sand.u32 $0x4000, s31;
	s1 =	sadd.s32 s1, s30  }
0xb9: {  	s0 =	sor.u32 s3, s0;
	s1 =	sshll.u32 s1, $0x11  }
0xba: {  	s0 =	sor.u32 s1, s0  }
0xbb: {  	s0 =	sadd.s32 $0x8F2B, s0  }
0xbc: {  	[sflag:s0] =	ssyncadd.remote.s32 $0x1  }
0xbd: {  	_ =	sfence.sel $0xFFFF  }
0xbe: {  	[dreg:$0x0] =	wrdreg $0xFFFFFFFF;
	(pc) =	sbr.abs _section_cstart, $3  }
0xbf: {  	[dreg:$0x1] =	wrdreg $0xFFFFFFFF  }
0xc0: {  	_ =	task.clear_ibuf [dreg:s6], $0x2FFFF;
	_ =	strace $0x9FFFFFFF  }
0xc1: {  	(tm) =	ssettm $0x7FFFFFFF  }
tec
execute0_lowered:
.L_overlay_start_1:
0x0: {  	(tag) =	ssettag $0x1  }
0x1: {  	s5 =	rddreg [dreg:$0x0];
	s1 =	simm.s32 $0x0;
	s6 =	srdreg.scid  }
0x2: {  	s2 =	stileid.u32;
	s10 =	simm.s32 $0x3;
	s11 =	simm.s32 $0x8000  }
0x3: {  	s12 =	simm.s32 $0x28;
	s13 =	simm.s32 $0x10000;
	s15 =	simm.s32 $0x11400  }
0x4: {  	s14 =	simm.s32 $0x16400;
	s16 =	simm.s32 $0x12800;
	s17 =	simm.s32 $0x18C00  }
0x5: {  	s18 =	simm.s32 $0x13C00;
	s19 =	simm.s32 $0x1A000;
	s20 =	simm.s32 $0x15000  }
0x6: {  	s21 =	simm.s32 $0x1B400;
	s22 =	simm.s32 $0x1;
	s23 =	simm.s32 $0x2  }
0x7: {  	s24 =	simm.s32 $0x0;
	[smem:$0x7FF] =	sst s1;
	s3 =	sadd.s32 $0x4800, s5  }
0x8: {  	s4 =	sadd.s32 $0x2C800, s5;
	s6 =	sand.u32 $0x1, s6;
	s7 =	sshll.u32 s2, $0xD  }
0x9: {  	s9 =	smul.u32 $0x4E200, s2;
	_ =	strace $0x80000047;
	s8 =	sshll.u32 s6, $0xC  }
0xa: {  	s30 =	ssub.s32 $0x2, s6;
	s6 =	smul.u32 $0x27100, s6;
	[dreg:$0x2] =	wrdreg s15  }
0xb: {  	s15 =	simm.s32 $0x17800;
	s7 =	sor.u32 s8, s7;
	s31 =	sshrl.u32 s30, $0x1  }
0xc: {  	s9 =	sadd.s32 s9, s5;
	s7 =	sadd.s32 s7, s5;
	s8 =	ssub.s32 s30, s31  }
0xd: {  	s9 =	sadd.s32 s6, s9;
	s5 =	sadd.s32 $0x54800, s7;
	s6 =	sadd.s32 $0x74800, s7  }
0xe: {  	s7 =	smax.u32 s8, $0x1;
	s8 =	sadd.s32 $0xBC800, s9;
	s9 =	sadd.s32 $0x59E800, s9  }
.LBB2_1:
0xf: {  	[tilespmem:s1], [sflag:$0x3] =	stream.linear.gather [hbm4b:s5+s1], $0x7D00, $0x38;
	[tilespmem:$0x1C800] =	vst v63  }
0x10: {  	_ =	swait.ge [sflag:s10], $0x7D00  }
0x11: {  	[sflag:s10] =	ssyncset.done $0x0  }
0x12: {  	[sflag:s10] =	ssyncadd.s32 $0xFFFF8300  }
0x13: {  	[tilespmem:s11], [sflag:$0x3] =	stream.linear.gather [hbm4b:s6+s1], $0x7D00, $0x38;
	[tilespmem:$0x1C800] =	vst v63  }
0x14: {  	_ =	swait.ge [sflag:s10], $0x7D00  }
0x15: {  	[sflag:s10] =	ssyncset.done $0x0  }
0x16: {  	s25 =	simm.s32 $0x0;
	[sflag:s10] =	ssyncadd.s32 $0xFFFF8300  }
0x17: {  	[tilespmem:s13], [sflag:$0x1] =	stream.indirect.gather [hbm4b:s3+s12], $0x80, s25, s12, $0xb8;
	[tilespmem:$0x1C800] =	vst v63  }
0x18: {  	s31 =	simm.s32 $0x8000  }
0x19: {  	[tilespmem:s14], [sflag:$0x2] =	stream.indirect.gather [hbm4b:s4+s12], $0x80, s31, s12, $0xb8;
	[tilespmem:$0x1C800] =	vst v63  }
0x1a: {  	s0 =	simm.s32 $0x80;
	s26 =	rddreg [dreg:$0x2]  }
0x1b: {  	[tilespmem:s26], [sflag:$0x1] =	stream.indirect.gather [hbm4b:s3+s12], $0x80, s0, s12, $0xb8;
	[tilespmem:$0x1C800] =	vst v63  }
0x1c: {  	s26 =	simm.s32 $0x8080  }
0x1d: {  	[tilespmem:s15], [sflag:$0x2] =	stream.indirect.gather [hbm4b:s4+s12], $0x80, s26, s12, $0xb8;
	[tilespmem:$0x1C800] =	vst v63  }
0x1e: {  	s29 =	simm.s32 $0x100  }
0x1f: {  	[tilespmem:s16], [sflag:$0x1] =	stream.indirect.gather [hbm4b:s3+s12], $0x80, s29, s12, $0xb8;
	[tilespmem:$0x1C800] =	vst v63  }
0x20: {  	s31 =	simm.s32 $0x8100  }
0x21: {  	[tilespmem:s17], [sflag:$0x2] =	stream.indirect.gather [hbm4b:s4+s12], $0x80, s31, s12, $0xb8;
	[tilespmem:$0x1C800] =	vst v63  }
0x22: {  	s0 =	simm.s32 $0x180  }
0x23: {  	[tilespmem:s18], [sflag:$0x1] =	stream.indirect.gather [hbm4b:s3+s12], $0x80, s0, s12, $0xb8;
	[tilespmem:$0x1C800] =	vst v63  }
0x24: {  	s26 =	simm.s32 $0x8180  }
0x25: {  	[tilespmem:s19], [sflag:$0x2] =	stream.indirect.gather [hbm4b:s4+s12], $0x80, s26, s12, $0xb8;
	[tilespmem:$0x1C800] =	vst v63  }
0x26: {  	s29 =	simm.s32 $0x200  }
0x27: {  	[tilespmem:s20], [sflag:$0x1] =	stream.indirect.gather [hbm4b:s3+s12], $0x80, s29, s12, $0xb8;
	[tilespmem:$0x1C800] =	vst v63  }
0x28: {  	s31 =	simm.s32 $0x8200  }
0x29: {  	[tilespmem:s21], [sflag:$0x2] =	stream.indirect.gather [hbm4b:s4+s12], $0x80, s31, s12, $0xb8;
	[tilespmem:$0x1C800] =	vst v63  }
0x2a: {  	_ =	swait.ge [sflag:s22], $0x1400  }
0x2b: {  	[sflag:s22] =	ssyncset.done $0x0  }
0x2c: {  	[sflag:s22] =	ssyncadd.s32 $0xFFFFEC00  }
0x2d: {  	_ =	swait.ge [sflag:s23], $0x1400  }
0x2e: {  	[sflag:s23] =	ssyncset.done $0x0  }
0x2f: {  	[sflag:s23] =	ssyncadd.s32 $0xFFFFEC00  }
0x30: {  	_ =	swait.ge [sflag:s22], $0x1400  }
0x31: {  	[sflag:s22] =	ssyncset.done $0x0  }
0x32: {  	[sflag:s22] =	ssyncadd.s32 $0xFFFFEC00  }
0x33: {  	_ =	swait.ge [sflag:s23], $0x1400  }
0x34: {  	[sflag:s23] =	ssyncset.done $0x0  }
0x35: {  	[sflag:s23] =	ssyncadd.s32 $0xFFFFEC00  }
0x36: {  	_ =	swait.ge [sflag:s22], $0x1400  }
0x37: {  	[sflag:s22] =	ssyncset.done $0x0  }
0x38: {  	[sflag:s22] =	ssyncadd.s32 $0xFFFFEC00  }
0x39: {  	_ =	swait.ge [sflag:s23], $0x1400  }
0x3a: {  	[sflag:s23] =	ssyncset.done $0x0  }
0x3b: {  	[sflag:s23] =	ssyncadd.s32 $0xFFFFEC00  }
0x3c: {  	_ =	swait.ge [sflag:s22], $0x1400  }
0x3d: {  	[sflag:s22] =	ssyncset.done $0x0  }
0x3e: {  	[sflag:s22] =	ssyncadd.s32 $0xFFFFEC00  }
0x3f: {  	_ =	swait.ge [sflag:s23], $0x1400  }
0x40: {  	[sflag:s23] =	ssyncset.done $0x0  }
0x41: {  	[sflag:s23] =	ssyncadd.s32 $0xFFFFEC00  }
0x42: {  	_ =	swait.ge [sflag:s22], $0x1400  }
0x43: {  	[sflag:s22] =	ssyncset.done $0x0  }
0x44: {  	[sflag:s22] =	ssyncadd.s32 $0xFFFFEC00  }
0x45: {  	_ =	swait.ge [sflag:s23], $0x1400  }
0x46: {  	[sflag:s23] =	ssyncset.done $0x0  }
0x47: {  	[sflag:s23] =	ssyncadd.s32 $0xFFFFEC00  }
0x48: {  	[hbm4b:s8+s1] =	stream.linear.scatter [tilespmem:s13], [sflag:$0x3], $0x6400, $0x38;
	[tilespmem:$0x1C800] =	vst v63  }
0x49: {  	_ =	swait.ge [sflag:s10], $0x6400  }
0x4a: {  	[sflag:s10] =	ssyncset.done $0x0  }
0x4b: {  	[sflag:s10] =	ssyncadd.s32 $0xFFFF9C00  }
0x4c: {  	[hbm4b:s9+s1] =	stream.linear.scatter [tilespmem:s14], [sflag:$0x3], $0x6400, $0x38;
	[tilespmem:$0x1C800] =	vst v63  }
0x4d: {  	s28 =	simm.s32 $0xA00;
	s30 =	simm.s32 $0x1400;
	_ =	swait.ge [sflag:s10], $0x6400  }
0x4e: {  	s25 =	sadd.s32 $0xC80, s9;
	s26 =	sadd.s32 $0xC80, s8;
	[sflag:s10] =	ssyncset.done $0x0  }
.LBB2_2:
0x4f: {  	s31 =	sshra.s32 s28, $0x2;
	[sflag:s10] =	ssyncadd.s32 $0xFFFF9C00;
	s28 =	smov.u32 s30  }
0x50: {  	[tilespmem:s13], [sflag:$0x1] =	stream.indirect.gather [hbm4b:s3+s12], $0x80, s31, s12, $0xb8;
	[tilespmem:$0x1C800] =	vst v63  }
0x51: {  	s29 =	sadd.s32 $0xA00, s30;
	p0 =	sne.s32 s30, $0x1EA00;
	s30 =	sadd.s32 $0x8000, s31  }
0x52: {  	[tilespmem:s14], [sflag:$0x2] =	stream.indirect.gather [hbm4b:s4+s12], $0x80, s30, s12, $0xb8;
	[tilespmem:$0x1C800] =	vst v63  }
0x53: {  	s0 =	rddreg [dreg:$0x2];
	s30 =	sadd.s32 $0x80, s31  }
0x54: {  	[tilespmem:s0], [sflag:$0x1] =	stream.indirect.gather [hbm4b:s3+s12], $0x80, s30, s12, $0xb8;
	[tilespmem:$0x1C800] =	vst v63  }
0x55: {  	s0 =	sadd.s32 $0x8080, s31  }
0x56: {  	[tilespmem:s15], [sflag:$0x2] =	stream.indirect.gather [hbm4b:s4+s12], $0x80, s0, s12, $0xb8;
	[tilespmem:$0x1C800] =	vst v63  }
0x57: {  	s0 =	sadd.s32 $0x100, s31  }
0x58: {  	[tilespmem:s16], [sflag:$0x1] =	stream.indirect.gather [hbm4b:s3+s12], $0x80, s0, s12, $0xb8;
	[tilespmem:$0x1C800] =	vst v63  }
0x59: {  	s0 =	sadd.s32 $0x8100, s31  }
0x5a: {  	[tilespmem:s17], [sflag:$0x2] =	stream.indirect.gather [hbm4b:s4+s12], $0x80, s0, s12, $0xb8;
	[tilespmem:$0x1C800] =	vst v63  }
0x5b: {  	s0 =	sadd.s32 $0x180, s31  }
0x5c: {  	[tilespmem:s18], [sflag:$0x1] =	stream.indirect.gather [hbm4b:s3+s12], $0x80, s0, s12, $0xb8;
	[tilespmem:$0x1C800] =	vst v63  }
0x5d: {  	s0 =	sadd.s32 $0x8180, s31  }
0x5e: {  	[tilespmem:s19], [sflag:$0x2] =	stream.indirect.gather [hbm4b:s4+s12], $0x80, s0, s12, $0xb8;
	[tilespmem:$0x1C800] =	vst v63  }
0x5f: {  	s0 =	sadd.s32 $0x200, s31  }
0x60: {  	[tilespmem:s20], [sflag:$0x1] =	stream.indirect.gather [hbm4b:s3+s12], $0x80, s0, s12, $0xb8;
	[tilespmem:$0x1C800] =	vst v63  }
0x61: {  	s31 =	sadd.s32 $0x8200, s31  }
0x62: {  	[tilespmem:s21], [sflag:$0x2] =	stream.indirect.gather [hbm4b:s4+s12], $0x80, s31, s12, $0xb8;
	[tilespmem:$0x1C800] =	vst v63  }
0x63: {  	_ =	swait.ge [sflag:s22], $0x1400  }
0x64: {  	[sflag:s22] =	ssyncset.done $0x0  }
0x65: {  	[sflag:s22] =	ssyncadd.s32 $0xFFFFEC00  }
0x66: {  	_ =	swait.ge [sflag:s23], $0x1400  }
0x67: {  	[sflag:s23] =	ssyncset.done $0x0  }
0x68: {  	[sflag:s23] =	ssyncadd.s32 $0xFFFFEC00  }
0x69: {  	_ =	swait.ge [sflag:s22], $0x1400  }
0x6a: {  	[sflag:s22] =	ssyncset.done $0x0  }
0x6b: {  	[sflag:s22] =	ssyncadd.s32 $0xFFFFEC00  }
0x6c: {  	_ =	swait.ge [sflag:s23], $0x1400  }
0x6d: {  	[sflag:s23] =	ssyncset.done $0x0  }
0x6e: {  	[sflag:s23] =	ssyncadd.s32 $0xFFFFEC00  }
0x6f: {  	_ =	swait.ge [sflag:s22], $0x1400  }
0x70: {  	[sflag:s22] =	ssyncset.done $0x0  }
0x71: {  	[sflag:s22] =	ssyncadd.s32 $0xFFFFEC00  }
0x72: {  	_ =	swait.ge [sflag:s23], $0x1400  }
0x73: {  	[sflag:s23] =	ssyncset.done $0x0  }
0x74: {  	[sflag:s23] =	ssyncadd.s32 $0xFFFFEC00  }
0x75: {  	_ =	swait.ge [sflag:s22], $0x1400  }
0x76: {  	[sflag:s22] =	ssyncset.done $0x0  }
0x77: {  	[sflag:s22] =	ssyncadd.s32 $0xFFFFEC00  }
0x78: {  	_ =	swait.ge [sflag:s23], $0x1400  }
0x79: {  	[sflag:s23] =	ssyncset.done $0x0  }
0x7a: {  	[sflag:s23] =	ssyncadd.s32 $0xFFFFEC00  }
0x7b: {  	_ =	swait.ge [sflag:s22], $0x1400  }
0x7c: {  	[sflag:s22] =	ssyncset.done $0x0  }
0x7d: {  	[sflag:s22] =	ssyncadd.s32 $0xFFFFEC00  }
0x7e: {  	_ =	swait.ge [sflag:s23], $0x1400  }
0x7f: {  	[sflag:s23] =	ssyncset.done $0x0  }
0x80: {  	[sflag:s23] =	ssyncadd.s32 $0xFFFFEC00  }
0x81: {  	[hbm4b:s26+s1] =	stream.linear.scatter [tilespmem:s13], [sflag:$0x3], $0x6400, $0x38;
	[tilespmem:$0x1C800] =	vst v63  }
0x82: {  	_ =	swait.ge [sflag:s10], $0x6400  }
.Ltmp0:
0x83: {  	[sflag:s10] =	ssyncset.done $0x0;
	(pc) =	sbr.rel @p0 .LBB2_2-.Ltmp0, $4  }
0x84: {  	[sflag:s10] =	ssyncadd.s32 $0xFFFF9C00  }
0x85: {  	[hbm4b:s25+s1] =	stream.linear.scatter [tilespmem:s14], [sflag:$0x3], $0x6400, $0x38;
	[tilespmem:$0x1C800] =	vst v63  }
0x86: {  	s30 =	smov.u32 s29;
	_ =	swait.ge [sflag:s10], $0x6400  }
0x87: {  	s26 =	sadd.s32 $0xC80, s26;
	s25 =	sadd.s32 $0xC80, s25;
	[sflag:s10] =	ssyncset.done $0x0  }
0x88: {  	s0 =	sshra.s32 s28, $0x2;
	[sflag:s10] =	ssyncadd.s32 $0xFFFF9C00  }
0x89: {  	[tilespmem:s13], [sflag:$0x1] =	stream.indirect.gather [hbm4b:s3+s12], $0x80, s0, s12, $0xb8;
	[tilespmem:$0x1C800] =	vst v63  }
0x8a: {  	s28 =	sadd.s32 $0x8000, s0  }
0x8b: {  	[tilespmem:s14], [sflag:$0x2] =	stream.indirect.gather [hbm4b:s4+s12], $0x80, s28, s12, $0xb8;
	[tilespmem:$0x1C800] =	vst v63  }
0x8c: {  	s29 =	rddreg [dreg:$0x2];
	s31 =	sadd.s32 $0x80, s0  }
0x8d: {  	[tilespmem:s29], [sflag:$0x1] =	stream.indirect.gather [hbm4b:s3+s12], $0x80, s31, s12, $0xb8;
	[tilespmem:$0x1C800] =	vst v63  }
0x8e: {  	s29 =	sadd.s32 $0x8080, s0  }
0x8f: {  	[tilespmem:s15], [sflag:$0x2] =	stream.indirect.gather [hbm4b:s4+s12], $0x80, s29, s12, $0xb8;
	[tilespmem:$0x1C800] =	vst v63  }
0x90: {  	s30 =	sadd.s32 $0x100, s0  }
0x91: {  	[tilespmem:s16], [sflag:$0x1] =	stream.indirect.gather [hbm4b:s3+s12], $0x80, s30, s12, $0xb8;
	[tilespmem:$0x1C800] =	vst v63  }
0x92: {  	s31 =	sadd.s32 $0x8100, s0  }
0x93: {  	[tilespmem:s17], [sflag:$0x2] =	stream.indirect.gather [hbm4b:s4+s12], $0x80, s31, s12, $0xb8;
	[tilespmem:$0x1C800] =	vst v63  }
0x94: {  	s29 =	sadd.s32 $0x180, s0  }
0x95: {  	[tilespmem:s18], [sflag:$0x1] =	stream.indirect.gather [hbm4b:s3+s12], $0x80, s29, s12, $0xb8;
	[tilespmem:$0x1C800] =	vst v63  }
0x96: {  	s30 =	sadd.s32 $0x8180, s0  }
0x97: {  	[tilespmem:s19], [sflag:$0x2] =	stream.indirect.gather [hbm4b:s4+s12], $0x80, s30, s12, $0xb8;
	[tilespmem:$0x1C800] =	vst v63  }
0x98: {  	s31 =	sadd.s32 $0x200, s0  }
0x99: {  	[tilespmem:s20], [sflag:$0x1] =	stream.indirect.gather [hbm4b:s3+s12], $0x80, s31, s12, $0xb8;
	[tilespmem:$0x1C800] =	vst v63  }
0x9a: {  	s0 =	sadd.s32 $0x8200, s0  }
0x9b: {  	[tilespmem:s21], [sflag:$0x2] =	stream.indirect.gather [hbm4b:s4+s12], $0x80, s0, s12, $0xb8;
	[tilespmem:$0x1C800] =	vst v63  }
0x9c: {  	_ =	swait.ge [sflag:s22], $0x1400  }
0x9d: {  	[sflag:s22] =	ssyncset.done $0x0  }
0x9e: {  	[sflag:s22] =	ssyncadd.s32 $0xFFFFEC00  }
0x9f: {  	_ =	swait.ge [sflag:s23], $0x1400  }
0xa0: {  	[sflag:s23] =	ssyncset.done $0x0  }
0xa1: {  	[sflag:s23] =	ssyncadd.s32 $0xFFFFEC00  }
0xa2: {  	_ =	swait.ge [sflag:s22], $0x1400  }
0xa3: {  	[sflag:s22] =	ssyncset.done $0x0  }
0xa4: {  	[sflag:s22] =	ssyncadd.s32 $0xFFFFEC00  }
0xa5: {  	_ =	swait.ge [sflag:s23], $0x1400  }
0xa6: {  	[sflag:s23] =	ssyncset.done $0x0  }
0xa7: {  	[sflag:s23] =	ssyncadd.s32 $0xFFFFEC00  }
0xa8: {  	_ =	swait.ge [sflag:s22], $0x1400  }
0xa9: {  	[sflag:s22] =	ssyncset.done $0x0  }
0xaa: {  	[sflag:s22] =	ssyncadd.s32 $0xFFFFEC00  }
0xab: {  	_ =	swait.ge [sflag:s23], $0x1400  }
0xac: {  	[sflag:s23] =	ssyncset.done $0x0  }
0xad: {  	[sflag:s23] =	ssyncadd.s32 $0xFFFFEC00  }
0xae: {  	_ =	swait.ge [sflag:s22], $0x1400  }
0xaf: {  	[sflag:s22] =	ssyncset.done $0x0  }
0xb0: {  	[sflag:s22] =	ssyncadd.s32 $0xFFFFEC00  }
0xb1: {  	_ =	swait.ge [sflag:s23], $0x1400  }
0xb2: {  	[sflag:s23] =	ssyncset.done $0x0  }
0xb3: {  	[sflag:s23] =	ssyncadd.s32 $0xFFFFEC00  }
0xb4: {  	_ =	swait.ge [sflag:s22], $0x1400  }
0xb5: {  	[sflag:s22] =	ssyncset.done $0x0  }
0xb6: {  	[sflag:s22] =	ssyncadd.s32 $0xFFFFEC00  }
0xb7: {  	_ =	swait.ge [sflag:s23], $0x1400  }
0xb8: {  	[sflag:s23] =	ssyncset.done $0x0  }
0xb9: {  	[sflag:s23] =	ssyncadd.s32 $0xFFFFEC00  }
0xba: {  	[hbm4b:s26+s1] =	stream.linear.scatter [tilespmem:s13], [sflag:$0x3], $0x6400, $0x38;
	[tilespmem:$0x1C800] =	vst v63  }
0xbb: {  	s24 =	sadd.s32 $0x1, s24;
	_ =	swait.ge [sflag:s10], $0x6400  }
0xbc: {  	p0 =	sne.s32 s24, s7;
	[sflag:s10] =	ssyncset.done $0x0  }
.Ltmp1:
0xbd: {  	[sflag:s10] =	ssyncadd.s32 $0xFFFF9C00;
	(pc) =	sbr.rel @p0 .LBB2_1-.Ltmp1, $4  }
0xbe: {  	[hbm4b:s25+s1] =	stream.linear.scatter [tilespmem:s14], [sflag:$0x3], $0x6400, $0x38;
	[tilespmem:$0x1C800] =	vst v63  }
0xbf: {  	_ =	swait.ge [sflag:s10], $0x6400  }
0xc0: {  	[sflag:s10] =	ssyncset.done $0x0  }
0xc1: {  	[sflag:s10] =	ssyncadd.s32 $0xFFFF9C00  }
0xc2: {  	_ =	sfence.sel $0x180000  }
0xc3: {  	[bflag:$0x0] =	sbarrier.arrive $0xFFFF  }
0xc4: {  	_ =	strace $0x90000047  }
0xc5: {  	[bflag:$0x2] =	sbarrier.arrive $0xFFFF  }
0xc6: {  	p0 =	sne.s32 s2, $0x0;
	s0 =	rddreg [dreg:$0x1]  }
0xc7: {  	s0 =	sadd.s32 @!p0 $0x100000, s0  }
0xc8: {  	[sflag:s0] =	ssyncadd.tile.s32 @!p0 $0x1;
	_ =	shalt  }
.Lfunc_end2:
_tile_overlayer_lowered:
.L_overlay_start_2:
0xc9: {  	(tag) =	ssettag $0x2  }
0xca: {  	s0 =	rddreg [dreg:$0x0];
	s2 =	stileid.u32  }
0xcb: {  	s1 =	rddreg [dreg:$0x1];
	p0 =	sne.s32 s2, $0x0  }
0xcc: {  	s3 =	rddreg [dreg:$0x2];
	[bflag:$0x3] =	sbarrier.arrive $0xFFFF;
	s2 =	simm.s32 @!p0 $0x1C03  }
0xcd: {  	[timem:s3], [sflag:s2] =	dma.local @!p0 [hbm:s0], s1  }
0xce: {  	s0 =	simm.s32 @!p0 $0x3  }
0xcf: {  	_ =	swait.ge @!p0 [sflag:s0], s1  }
0xd0: {  	s1 =	ssub.s32 @!p0 $0x0, s1;
	[sflag:s0] =	ssyncset.done @!p0 $0x0  }
0xd1: {  	[sflag:s0] =	ssyncadd.s32 @!p0 s1  }
0xd2: {  	[bflag:$0x3] =	sbarrier.arrive $0xFFFF  }
0xd3: {  	_ =	shalt  }

</sc_bundles>
